<compile_context>
chip_gen: v7x
topology: tpu7x:2x2x1
jax: 0.10.2.dev20260603
libtpu: 0.0.44.dev20260713+nightly
codegen_flags: <defaults>
</compile_context>

<pallas_src>
import functools

import jax
import jax.numpy as jnp
from jax import lax
from jax.experimental import pallas as pl
from jax.experimental.pallas import tpu as pltpu
from jax.experimental.pallas import tpu_sc as plsc

N = 10000
E = 320000
D = 128
H = 128

NPAD = 10240
CH = 128
NC = 2
NS = 16
NW = NC * NS
K = 80
EPAD = NW * K * CH
CB = CH
KC = K
ROWS_PER_TILE = NPAD // NS

f32 = jnp.float32
i32 = jnp.int32

_MESH = plsc.VectorSubcoreMesh(core_axis_name="c", subcore_axis_name="s")


def _common_prologue(src_hbm, zeros2d_hbm, src_v, acc_sh, cid, sid):
    wid = cid * NS + sid
    r0 = sid * ROWS_PER_TILE
    pltpu.sync_copy(zeros2d_hbm.at[pl.ds(r0, ROWS_PER_TILE)],
                    acc_sh.at[pl.ds(r0, ROWS_PER_TILE)])
    pltpu.sync_copy(src_hbm.at[wid], src_v)


def _gather_scatter_loop(feat_hbm, dst_hbm, wid, src_v, dst_g, rows_v,
                         acc_sh, gsem, chunk_extra):
    pltpu.sync_copy(dst_hbm.at[wid], dst_g)

    def body(j, carry):
        pltpu.async_copy(feat_hbm.at[src_v.at[j]], rows_v, gsem).wait()
        if chunk_extra is not None:
            chunk_extra(j)
        pltpu.sync_copy(rows_v, acc_sh.at[dst_g.at[j]], add=True)
        return carry

    lax.fori_loop(0, KC, body, 0)


@functools.partial(
    pl.kernel,
    out_type=[jax.ShapeDtypeStruct((NC, NPAD, D), f32),
              jax.ShapeDtypeStruct((NC, NPAD), f32)],
    mesh=_MESH,
    scratch_types=[
        pltpu.VMEM((KC, CB), i32),
        pltpu.VMEM((KC, CB), i32),
        pltpu.VMEM((CB, D), f32),
        pltpu.VMEM((CB,), f32),
        pltpu.VMEM_SHARED((NPAD, D), f32),
        pltpu.VMEM_SHARED((NPAD,), f32),
        pltpu.SemaphoreType.DMA,
    ],
    name="sc_segsum_deg",
)
def _sc_segsum_deg(feat_hbm, src_hbm, dst_hbm, zeros2d_hbm, zeros1d_hbm,
                   acc_out, deg_out,
                   src_v, dst_g, rows_v, ones_v, acc_sh, deg_sh, gsem):
    cid = lax.axis_index("c")
    sid = lax.axis_index("s")
    wid = cid * NS + sid
    r0 = sid * ROWS_PER_TILE
    _common_prologue(src_hbm, zeros2d_hbm, src_v, acc_sh, cid, sid)
    pltpu.sync_copy(zeros1d_hbm.at[pl.ds(r0, ROWS_PER_TILE)],
                    deg_sh.at[pl.ds(r0, ROWS_PER_TILE)])
    for i in range(CB // 16):
        ones_v[pl.ds(i * 16, 16)] = jnp.ones((16,), f32)
    plsc.subcore_barrier()

    def count_deg(u):
        pltpu.sync_copy(ones_v, deg_sh.at[dst_g.at[u]], add=True)

    _gather_scatter_loop(feat_hbm, dst_hbm, wid, src_v, dst_g, rows_v,
                         acc_sh, gsem, count_deg)
    plsc.subcore_barrier()
    pltpu.sync_copy(acc_sh.at[pl.ds(r0, ROWS_PER_TILE)],
                    acc_out.at[cid].at[pl.ds(r0, ROWS_PER_TILE)])
    pltpu.sync_copy(deg_sh.at[pl.ds(r0, ROWS_PER_TILE)],
                    deg_out.at[cid].at[pl.ds(r0, ROWS_PER_TILE)])


@functools.partial(
    pl.kernel,
    out_type=[jax.ShapeDtypeStruct((NC, NPAD, D), f32)],
    mesh=_MESH,
    scratch_types=[
        pltpu.VMEM((KC, CB), i32),
        pltpu.VMEM((KC, CB), i32),
        pltpu.VMEM((CB, D), f32),
        pltpu.VMEM_SHARED((NPAD, D), f32),
        pltpu.SemaphoreType.DMA,
    ],
    name="sc_segsum",
)
def _sc_segsum(feat_hbm, src_hbm, dst_hbm, zeros2d_hbm,
               acc_out,
               src_v, dst_g, rows_v, acc_sh, gsem):
    cid = lax.axis_index("c")
    sid = lax.axis_index("s")
    wid = cid * NS + sid
    r0 = sid * ROWS_PER_TILE
    _common_prologue(src_hbm, zeros2d_hbm, src_v, acc_sh, cid, sid)
    plsc.subcore_barrier()
    _gather_scatter_loop(feat_hbm, dst_hbm, wid, src_v, dst_g, rows_v,
                         acc_sh, gsem, None)
    plsc.subcore_barrier()
    pltpu.sync_copy(acc_sh.at[pl.ds(r0, ROWS_PER_TILE)],
                    acc_out.at[cid].at[pl.ds(r0, ROWS_PER_TILE)])


RB = 1000


def _tc_body(relu, p0_ref, p1_ref, degt_ref, x_ref, wl_ref, wr_ref, b_ref,
             o_ref):
    deg = degt_ref[:, 0:1] + degt_ref[:, 1:2]
    inv = 1.0 / jnp.maximum(deg, 1.0)
    agg = (p0_ref[0] + p1_ref[0]) * inv
    y = (jnp.dot(agg, wl_ref[...], preferred_element_type=f32)
         + jnp.dot(x_ref[...], wr_ref[...], preferred_element_type=f32)
         + b_ref[...])
    if relu:
        y = jnp.maximum(y, 0.0)
    o_ref[...] = y


def _tc_layer(parts, degt, x_in, W_l, W_r, b, relu):
    return pl.pallas_call(
        functools.partial(_tc_body, relu),
        grid=(N // RB,),
        in_specs=[
            pl.BlockSpec((1, RB, D), lambda i: (0, i, 0)),
            pl.BlockSpec((1, RB, D), lambda i: (1, i, 0)),
            pl.BlockSpec((RB, 2), lambda i: (i, 0)),
            pl.BlockSpec((RB, D), lambda i: (i, 0)),
            pl.BlockSpec((D, H), lambda i: (0, 0)),
            pl.BlockSpec((D, H), lambda i: (0, 0)),
            pl.BlockSpec((1, H), lambda i: (0, 0)),
        ],
        out_specs=pl.BlockSpec((RB, H), lambda i: (i, 0)),
        out_shape=jax.ShapeDtypeStruct((N, H), f32),
    )(parts, parts, degt, x_in, W_l, W_r, b.reshape(1, H))


def kernel(x, edge_index, W_l0, W_r0, b0, W_l1, W_r1, b1):
    src = edge_index[0]
    dst = edge_index[1]
    pad = EPAD - E
    src_p = jnp.concatenate([src, jnp.arange(pad, dtype=i32) % N])
    dst_p = jnp.concatenate([dst, N + jnp.arange(pad, dtype=i32) % (NPAD - N)])
    src3 = src_p.reshape(NW, KC, CB)
    dst3 = dst_p.reshape(NW, KC, CB)
    z2 = jnp.zeros((NPAD, D), f32)
    z1 = jnp.zeros((NPAD,), f32)

    acc0, deg = _sc_segsum_deg(x, src3, dst3, z2, z1)
    degt = deg.T
    h = _tc_layer(acc0, degt, x, W_l0, W_r0, b0, relu=True)
    (acc1,) = _sc_segsum(h, src3, dst3, z2)
    return _tc_layer(acc1, degt, h, W_l1, W_r1, b1, relu=False)

# --- scband reference (transcript-rebuilt; emitter-appended) ---
"""Pipeline reference for scband-graph-sage-26482768347457 (READ-ONLY COPY).

The authoritative reference and input builder live on the scoring server;
editing this copy changes nothing except your own understanding.
"""

import jax, jax.numpy as jnp
import numpy as np

N = 10000
E = 320000
D = 128
H = 128


def sage_conv(x, edge_index, W_l, W_r, b, num_nodes):
    # PyG-style SAGEConv with mean aggregation:
    # out = lin_l(mean_{j in N(i)} x_j) + lin_r(x_i)
    src = edge_index[0]
    dst = edge_index[1]
    msgs = x[src]  # gather: [E, D]
    agg = jax.ops.segment_sum(msgs, dst, num_segments=num_nodes)  # scatter-add
    deg = jax.ops.segment_sum(jnp.ones((src.shape[0],), dtype=x.dtype), dst, num_segments=num_nodes)
    agg = agg / jnp.clip(deg, 1.0, None)[:, None]
    return agg @ W_l + x @ W_r + b


def setup_inputs(seed: int = 0) -> dict:
    key = jax.random.key(seed)
    ks = jax.random.split(key, 9)
    x = jax.random.normal(ks[0], (N, D), dtype=jnp.float32)
    edge_index = jax.random.randint(ks[1], (2, E), 0, N, dtype=jnp.int32)
    s0 = 1.0 / np.sqrt(D)
    s1 = 1.0 / np.sqrt(H)
    W_l0 = jax.random.uniform(ks[2], (D, H), dtype=jnp.float32, minval=-s0, maxval=s0)
    W_r0 = jax.random.uniform(ks[3], (D, H), dtype=jnp.float32, minval=-s0, maxval=s0)
    b0 = jax.random.uniform(ks[4], (H,), dtype=jnp.float32, minval=-s0, maxval=s0)
    W_l1 = jax.random.uniform(ks[5], (H, H), dtype=jnp.float32, minval=-s1, maxval=s1)
    W_r1 = jax.random.uniform(ks[6], (H, H), dtype=jnp.float32, minval=-s1, maxval=s1)
    b1 = jax.random.uniform(ks[7], (H,), dtype=jnp.float32, minval=-s1, maxval=s1)
    return {"x": x, "edge_index": edge_index, "W_l0": W_l0, "W_r0": W_r0, "b0": b0, "W_l1": W_l1, "W_r1": W_r1, "b1": b1}


def reference(x, edge_index, W_l0, W_r0, b0, W_l1, W_r1, b1):
    # layer 0 + relu (dropout p=0.0 -> identity)
    h = sage_conv(x, edge_index, W_l0, W_r0, b0, N)
    h = jax.nn.relu(h)
    # layer 1 (last layer: no relu/dropout)
    out = sage_conv(h, edge_index, W_l1, W_r1, b1, N)
    return out

if __name__ == "__main__":
    import jax
    _d = setup_inputs()
    print(jax.jit(kernel)(*tuple(_d.values())))

</pallas_src>

<mosaic_0001>
#map = affine_map<(d0, d1) -> (0, 0)>
#map1 = affine_map<(d0, d1) -> (0, 0, 0)>
#map2 = affine_map<(d0, d1) -> (0)>
module attributes {stable_mosaic.version = 14 : i64} {
  func.func @sc_segsum_deg(%arg0: i32, %arg1: i32, %arg2: memref<10000x128xf32, #tpu.memory_space<hbm>>, %arg3: memref<32x80x128xi32, #tpu.memory_space<hbm>>, %arg4: memref<32x80x128xi32, #tpu.memory_space<hbm>>, %arg5: memref<10240x128xf32, #tpu.memory_space<hbm>>, %arg6: memref<10240xf32, #tpu.memory_space<hbm>>, %arg7: memref<2x10240x128xf32, #tpu.memory_space<hbm>>, %arg8: memref<2x10240xf32, #tpu.memory_space<hbm>>, %arg9: memref<80x128xi32, #tpu.memory_space<vmem>>, %arg10: memref<80x128xi32, #tpu.memory_space<vmem>>, %arg11: memref<128x128xf32, #tpu.memory_space<vmem>>, %arg12: memref<128xf32, #tpu.memory_space<vmem>>, %arg13: memref<10240x128xf32, #tpu.memory_space<vmem_shared>>, %arg14: memref<10240xf32, #tpu.memory_space<vmem_shared>>, %arg15: memref<!tpu.dma_semaphore, #tpu.memory_space<semaphore_mem>>) attributes {dimension_semantics = [#tpu.dimension_semantics<core_parallel>, #tpu.dimension_semantics<subcore_parallel>], iteration_bounds = array<i64: 2, 16>, scalar_prefetch = 0 : i64, scratch_operands = 7 : i64, tpu.core_type = #tpu.core_type<sc_vector_subcore>, window_params = [{transform_indices = #map}, {transform_indices = #map1}, {transform_indices = #map1}, {transform_indices = #map}, {transform_indices = #map2}, {transform_indices = #map1}, {transform_indices = #map}]} {
    %mul3A = arith.constant 16 : i32
    %mul3A_0 = arith.muli %arg0, %mul3A : i32
    %add3A = arith.addi %mul3A_0, %arg1 : i32
    %mul3A_1 = arith.constant 640 : i32
    %mul3A_2 = arith.muli %arg1, %mul3A_1 : i32
    %mul3A_3 = arith.constant 16 : i32
    %mul3A_4 = arith.muli %arg0, %mul3A_3 : i32
    %add3A_5 = arith.addi %mul3A_4, %arg1 : i32
    %mul3A_6 = arith.constant 640 : i32
    %mul3A_7 = arith.muli %arg1, %mul3A_6 : i32
    "tpu.region"() ({
      %run_scoped3A = tpu.sem_alloc : memref<!tpu.dma_semaphore, #tpu.memory_space<semaphore_mem>>
      %dma_start3A = arith.constant 0 : i32
      %dma_start3A_60 = tpu.memref_slice %arg13[%mul3A_7, %dma_start3A] : memref<10240x128xf32, #tpu.memory_space<vmem_shared>> -> memref<640x128xf32, #tpu.memory_space<vmem_shared>>
      %dma_start3A_61 = arith.constant 0 : i32
      %dma_start3A_62 = tpu.memref_slice %arg5[%mul3A_7, %dma_start3A_61] : memref<10240x128xf32, #tpu.memory_space<hbm>> -> memref<640x128xf32, #tpu.memory_space<hbm>>
      tpu.enqueue_dma source(%dma_start3A_62 : memref<640x128xf32, #tpu.memory_space<hbm>>) target(%dma_start3A_60 : memref<640x128xf32, #tpu.memory_space<vmem_shared>>) target_semaphore(%run_scoped3A : memref<!tpu.dma_semaphore, #tpu.memory_space<semaphore_mem>>)
      %dma_wait3A = arith.constant 0 : i32
      %dma_wait3A_63 = tpu.memref_slice %arg13[%mul3A_7, %dma_wait3A] : memref<10240x128xf32, #tpu.memory_space<vmem_shared>> -> memref<640x128xf32, #tpu.memory_space<vmem_shared>>
      %dma_wait3A_64 = arith.constant 0 : i32
      %dma_wait3A_65 = tpu.memref_slice %arg5[%mul3A_7, %dma_wait3A_64] : memref<10240x128xf32, #tpu.memory_space<hbm>> -> memref<640x128xf32, #tpu.memory_space<hbm>>
      tpu.wait_dma2 semaphore(%run_scoped3A : memref<!tpu.dma_semaphore, #tpu.memory_space<semaphore_mem>>) src(%dma_wait3A_65 : memref<640x128xf32, #tpu.memory_space<hbm>>) dst(%dma_wait3A_63 : memref<640x128xf32, #tpu.memory_space<vmem_shared>>)
      tpu.yield
    }) : () -> ()
    "tpu.region"() ({
      %run_scoped3A = tpu.sem_alloc : memref<!tpu.dma_semaphore, #tpu.memory_space<semaphore_mem>>
      %dma_start3A = arith.constant 0 : i32
      %dma_start3A_60 = arith.constant 0 : i32
      %dma_start3A_61 = tpu.memref_slice %arg3[%add3A_5, %dma_start3A, %dma_start3A_60] : memref<32x80x128xi32, #tpu.memory_space<hbm>> -> memref<1x80x128xi32, #tpu.memory_space<hbm>>
      %dma_start3A_62 = tpu.memref_squeeze %dma_start3A_61 : memref<1x80x128xi32, #tpu.memory_space<hbm>> -> memref<80x128xi32, #tpu.memory_space<hbm>>
      %dma_start3A_63 = arith.constant 0 : i32
      %dma_start3A_64 = arith.constant 0 : i32
      %dma_start3A_65 = tpu.memref_slice %arg3[%add3A_5, %dma_start3A_63, %dma_start3A_64] : memref<32x80x128xi32, #tpu.memory_space<hbm>> -> memref<1x80x128xi32, #tpu.memory_space<hbm>>
      %dma_start3A_66 = tpu.memref_squeeze %dma_start3A_65 : memref<1x80x128xi32, #tpu.memory_space<hbm>> -> memref<80x128xi32, #tpu.memory_space<hbm>>
      tpu.enqueue_dma source(%dma_start3A_66 : memref<80x128xi32, #tpu.memory_space<hbm>>) target(%arg9 : memref<80x128xi32, #tpu.memory_space<vmem>>) target_semaphore(%run_scoped3A : memref<!tpu.dma_semaphore, #tpu.memory_space<semaphore_mem>>)
      %dma_wait3A = arith.constant 0 : i32
      %dma_wait3A_67 = arith.constant 0 : i32
      %dma_wait3A_68 = tpu.memref_slice %arg3[%add3A_5, %dma_wait3A, %dma_wait3A_67] : memref<32x80x128xi32, #tpu.memory_space<hbm>> -> memref<1x80x128xi32, #tpu.memory_space<hbm>>
      %dma_wait3A_69 = tpu.memref_squeeze %dma_wait3A_68 : memref<1x80x128xi32, #tpu.memory_space<hbm>> -> memref<80x128xi32, #tpu.memory_space<hbm>>
      %dma_wait3A_70 = arith.constant 0 : i32
      %dma_wait3A_71 = arith.constant 0 : i32
      %dma_wait3A_72 = tpu.memref_slice %arg3[%add3A_5, %dma_wait3A_70, %dma_wait3A_71] : memref<32x80x128xi32, #tpu.memory_space<hbm>> -> memref<1x80x128xi32, #tpu.memory_space<hbm>>
      %dma_wait3A_73 = tpu.memref_squeeze %dma_wait3A_72 : memref<1x80x128xi32, #tpu.memory_space<hbm>> -> memref<80x128xi32, #tpu.memory_space<hbm>>
      tpu.wait_dma2 semaphore(%run_scoped3A : memref<!tpu.dma_semaphore, #tpu.memory_space<semaphore_mem>>) src(%dma_wait3A_73 : memref<80x128xi32, #tpu.memory_space<hbm>>) dst(%arg9 : memref<80x128xi32, #tpu.memory_space<vmem>>)
      tpu.yield
    }) : () -> ()
    "tpu.region"() ({
      %run_scoped3A = tpu.sem_alloc : memref<!tpu.dma_semaphore, #tpu.memory_space<semaphore_mem>>
      %dma_start3A = tpu.memref_slice %arg14[%mul3A_2] : memref<10240xf32, #tpu.memory_space<vmem_shared>> -> memref<640xf32, #tpu.memory_space<vmem_shared>>
      %dma_start3A_60 = tpu.memref_slice %arg6[%mul3A_2] : memref<10240xf32, #tpu.memory_space<hbm>> -> memref<640xf32, #tpu.memory_space<hbm>>
      tpu.enqueue_dma source(%dma_start3A_60 : memref<640xf32, #tpu.memory_space<hbm>>) target(%dma_start3A : memref<640xf32, #tpu.memory_space<vmem_shared>>) target_semaphore(%run_scoped3A : memref<!tpu.dma_semaphore, #tpu.memory_space<semaphore_mem>>)
      %dma_wait3A = tpu.memref_slice %arg14[%mul3A_2] : memref<10240xf32, #tpu.memory_space<vmem_shared>> -> memref<640xf32, #tpu.memory_space<vmem_shared>>
      %dma_wait3A_61 = tpu.memref_slice %arg6[%mul3A_2] : memref<10240xf32, #tpu.memory_space<hbm>> -> memref<640xf32, #tpu.memory_space<hbm>>
      tpu.wait_dma2 semaphore(%run_scoped3A : memref<!tpu.dma_semaphore, #tpu.memory_space<semaphore_mem>>) src(%dma_wait3A_61 : memref<640xf32, #tpu.memory_space<hbm>>) dst(%dma_wait3A : memref<640xf32, #tpu.memory_space<vmem_shared>>)
      tpu.yield
    }) : () -> ()
    %broadcast_in_dim3A = arith.constant 1.000000e+00 : f32
    %broadcast_in_dim3A_8 = vector.broadcast %broadcast_in_dim3A : f32 to vector<16xf32>
    %swap3A = arith.constant 0 : index
    %swap3A_9 = tpu.vector_load %arg12[%swap3A] {strides = array<i32>} : memref<128xf32, #tpu.memory_space<vmem>>, vector<16xf32>,
    %swap3A_10 = vector.shape_cast %swap3A_9 : vector<16xf32> to vector<16xf32>
    %swap3A_11 = vector.shape_cast %broadcast_in_dim3A_8 : vector<16xf32> to vector<16xf32>
    tpu.vector_store %arg12[%swap3A], %swap3A_11 {strides = array<i32>} : memref<128xf32, #tpu.memory_space<vmem>>, vector<16xf32>,
    %broadcast_in_dim3A_12 = arith.constant 1.000000e+00 : f32
    %broadcast_in_dim3A_13 = vector.broadcast %broadcast_in_dim3A_12 : f32 to vector<16xf32>
    %swap3A_14 = arith.constant 16 : index
    %swap3A_15 = tpu.vector_load %arg12[%swap3A_14] {strides = array<i32>} : memref<128xf32, #tpu.memory_space<vmem>>, vector<16xf32>,
    %swap3A_16 = vector.shape_cast %swap3A_15 : vector<16xf32> to vector<16xf32>
    %swap3A_17 = vector.shape_cast %broadcast_in_dim3A_13 : vector<16xf32> to vector<16xf32>
    tpu.vector_store %arg12[%swap3A_14], %swap3A_17 {strides = array<i32>} : memref<128xf32, #tpu.memory_space<vmem>>, vector<16xf32>,
    %broadcast_in_dim3A_18 = arith.constant 1.000000e+00 : f32
    %broadcast_in_dim3A_19 = vector.broadcast %broadcast_in_dim3A_18 : f32 to vector<16xf32>
    %swap3A_20 = arith.constant 32 : index
    %swap3A_21 = tpu.vector_load %arg12[%swap3A_20] {strides = array<i32>} : memref<128xf32, #tpu.memory_space<vmem>>, vector<16xf32>,
    %swap3A_22 = vector.shape_cast %swap3A_21 : vector<16xf32> to vector<16xf32>
    %swap3A_23 = vector.shape_cast %broadcast_in_dim3A_19 : vector<16xf32> to vector<16xf32>
    tpu.vector_store %arg12[%swap3A_20], %swap3A_23 {strides = array<i32>} : memref<128xf32, #tpu.memory_space<vmem>>, vector<16xf32>,
    %broadcast_in_dim3A_24 = arith.constant 1.000000e+00 : f32
    %broadcast_in_dim3A_25 = vector.broadcast %broadcast_in_dim3A_24 : f32 to vector<16xf32>
    %swap3A_26 = arith.constant 48 : index
    %swap3A_27 = tpu.vector_load %arg12[%swap3A_26] {strides = array<i32>} : memref<128xf32, #tpu.memory_space<vmem>>, vector<16xf32>,
    %swap3A_28 = vector.shape_cast %swap3A_27 : vector<16xf32> to vector<16xf32>
    %swap3A_29 = vector.shape_cast %broadcast_in_dim3A_25 : vector<16xf32> to vector<16xf32>
    tpu.vector_store %arg12[%swap3A_26], %swap3A_29 {strides = array<i32>} : memref<128xf32, #tpu.memory_space<vmem>>, vector<16xf32>,
    %broadcast_in_dim3A_30 = arith.constant 1.000000e+00 : f32
    %broadcast_in_dim3A_31 = vector.broadcast %broadcast_in_dim3A_30 : f32 to vector<16xf32>
    %swap3A_32 = arith.constant 64 : index
    %swap3A_33 = tpu.vector_load %arg12[%swap3A_32] {strides = array<i32>} : memref<128xf32, #tpu.memory_space<vmem>>, vector<16xf32>,
    %swap3A_34 = vector.shape_cast %swap3A_33 : vector<16xf32> to vector<16xf32>
    %swap3A_35 = vector.shape_cast %broadcast_in_dim3A_31 : vector<16xf32> to vector<16xf32>
    tpu.vector_store %arg12[%swap3A_32], %swap3A_35 {strides = array<i32>} : memref<128xf32, #tpu.memory_space<vmem>>, vector<16xf32>,
    %broadcast_in_dim3A_36 = arith.constant 1.000000e+00 : f32
    %broadcast_in_dim3A_37 = vector.broadcast %broadcast_in_dim3A_36 : f32 to vector<16xf32>
    %swap3A_38 = arith.constant 80 : index
    %swap3A_39 = tpu.vector_load %arg12[%swap3A_38] {strides = array<i32>} : memref<128xf32, #tpu.memory_space<vmem>>, vector<16xf32>,
    %swap3A_40 = vector.shape_cast %swap3A_39 : vector<16xf32> to vector<16xf32>
    %swap3A_41 = vector.shape_cast %broadcast_in_dim3A_37 : vector<16xf32> to vector<16xf32>
    tpu.vector_store %arg12[%swap3A_38], %swap3A_41 {strides = array<i32>} : memref<128xf32, #tpu.memory_space<vmem>>, vector<16xf32>,
    %broadcast_in_dim3A_42 = arith.constant 1.000000e+00 : f32
    %broadcast_in_dim3A_43 = vector.broadcast %broadcast_in_dim3A_42 : f32 to vector<16xf32>
    %swap3A_44 = arith.constant 96 : index
    %swap3A_45 = tpu.vector_load %arg12[%swap3A_44] {strides = array<i32>} : memref<128xf32, #tpu.memory_space<vmem>>, vector<16xf32>,
    %swap3A_46 = vector.shape_cast %swap3A_45 : vector<16xf32> to vector<16xf32>
    %swap3A_47 = vector.shape_cast %broadcast_in_dim3A_43 : vector<16xf32> to vector<16xf32>
    tpu.vector_store %arg12[%swap3A_44], %swap3A_47 {strides = array<i32>} : memref<128xf32, #tpu.memory_space<vmem>>, vector<16xf32>,
    %broadcast_in_dim3A_48 = arith.constant 1.000000e+00 : f32
    %broadcast_in_dim3A_49 = vector.broadcast %broadcast_in_dim3A_48 : f32 to vector<16xf32>
    %swap3A_50 = arith.constant 112 : index
    %swap3A_51 = tpu.vector_load %arg12[%swap3A_50] {strides = array<i32>} : memref<128xf32, #tpu.memory_space<vmem>>, vector<16xf32>,
    %swap3A_52 = vector.shape_cast %swap3A_51 : vector<16xf32> to vector<16xf32>
    %swap3A_53 = vector.shape_cast %broadcast_in_dim3A_49 : vector<16xf32> to vector<16xf32>
    tpu.vector_store %arg12[%swap3A_50], %swap3A_53 {strides = array<i32>} : memref<128xf32, #tpu.memory_space<vmem>>, vector<16xf32>,
    %barrier3A = arith.constant 0 : index
    tpu.barrier barrier_id(%barrier3A)
    "tpu.region"() ({
      %run_scoped3A = tpu.sem_alloc : memref<!tpu.dma_semaphore, #tpu.memory_space<semaphore_mem>>
      %dma_start3A = arith.constant 0 : i32
      %dma_start3A_60 = arith.constant 0 : i32
      %dma_start3A_61 = tpu.memref_slice %arg4[%add3A, %dma_start3A, %dma_start3A_60] : memref<32x80x128xi32, #tpu.memory_space<hbm>> -> memref<1x80x128xi32, #tpu.memory_space<hbm>>
      %dma_start3A_62 = tpu.memref_squeeze %dma_start3A_61 : memref<1x80x128xi32, #tpu.memory_space<hbm>> -> memref<80x128xi32, #tpu.memory_space<hbm>>
      %dma_start3A_63 = arith.constant 0 : i32
      %dma_start3A_64 = arith.constant 0 : i32
      %dma_start3A_65 = tpu.memref_slice %arg4[%add3A, %dma_start3A_63, %dma_start3A_64] : memref<32x80x128xi32, #tpu.memory_space<hbm>> -> memref<1x80x128xi32, #tpu.memory_space<hbm>>
      %dma_start3A_66 = tpu.memref_squeeze %dma_start3A_65 : memref<1x80x128xi32, #tpu.memory_space<hbm>> -> memref<80x128xi32, #tpu.memory_space<hbm>>
      tpu.enqueue_dma source(%dma_start3A_66 : memref<80x128xi32, #tpu.memory_space<hbm>>) target(%arg10 : memref<80x128xi32, #tpu.memory_space<vmem>>) target_semaphore(%run_scoped3A : memref<!tpu.dma_semaphore, #tpu.memory_space<semaphore_mem>>)
      %dma_wait3A = arith.constant 0 : i32
      %dma_wait3A_67 = arith.constant 0 : i32
      %dma_wait3A_68 = tpu.memref_slice %arg4[%add3A, %dma_wait3A, %dma_wait3A_67] : memref<32x80x128xi32, #tpu.memory_space<hbm>> -> memref<1x80x128xi32, #tpu.memory_space<hbm>>
      %dma_wait3A_69 = tpu.memref_squeeze %dma_wait3A_68 : memref<1x80x128xi32, #tpu.memory_space<hbm>> -> memref<80x128xi32, #tpu.memory_space<hbm>>
      %dma_wait3A_70 = arith.constant 0 : i32
      %dma_wait3A_71 = arith.constant 0 : i32
      %dma_wait3A_72 = tpu.memref_slice %arg4[%add3A, %dma_wait3A_70, %dma_wait3A_71] : memref<32x80x128xi32, #tpu.memory_space<hbm>> -> memref<1x80x128xi32, #tpu.memory_space<hbm>>
      %dma_wait3A_73 = tpu.memref_squeeze %dma_wait3A_72 : memref<1x80x128xi32, #tpu.memory_space<hbm>> -> memref<80x128xi32, #tpu.memory_space<hbm>>
      tpu.wait_dma2 semaphore(%run_scoped3A : memref<!tpu.dma_semaphore, #tpu.memory_space<semaphore_mem>>) src(%dma_wait3A_73 : memref<80x128xi32, #tpu.memory_space<hbm>>) dst(%arg10 : memref<80x128xi32, #tpu.memory_space<vmem>>)
      tpu.yield
    }) : () -> ()
    %scan3A = arith.constant 0 : i32
    %scan3A_54 = arith.constant 0 : i32
    %scan3A_55 = arith.constant 80 : i32
    %scan3A_56 = arith.addi %scan3A_54, %scan3A_55 : i32
    %scan3A_57 = arith.constant 1 : i32
    scf.for %scan3A_60 = %scan3A_54 to %scan3A_56 step %scan3A_57  : i32 {
      %dma_start3A = arith.constant 0 : i32
      %dma_start3A_61 = tpu.memref_slice %arg9[%scan3A_60, %dma_start3A] : memref<80x128xi32, #tpu.memory_space<vmem>> -> memref<1x128xi32, #tpu.memory_space<vmem>>
      %dma_start3A_62 = tpu.memref_squeeze %dma_start3A_61 : memref<1x128xi32, #tpu.memory_space<vmem>> -> memref<128xi32, #tpu.memory_space<vmem>>
      %dma_start3A_63 = arith.constant 0 : i32
      %dma_start3A_64 = arith.constant 0 : i32
      %dma_start3A_65 = tpu.memref_slice %arg2[%dma_start3A_63, %dma_start3A_64] : memref<10000x128xf32, #tpu.memory_space<hbm>> -> memref<10000x128xf32, #tpu.memory_space<hbm>>
      tpu.enqueue_indirect_dma source(%dma_start3A_65 : memref<10000x128xf32, #tpu.memory_space<hbm>>) target(%arg11 : memref<128x128xf32, #tpu.memory_space<vmem>>) offsets(%dma_start3A_62 : memref<128xi32, #tpu.memory_space<vmem>>) semaphore(%arg15 : memref<!tpu.dma_semaphore, #tpu.memory_space<semaphore_mem>>)
      %dma_wait3A = arith.constant 0 : i32
      %dma_wait3A_66 = tpu.memref_slice %arg9[%scan3A_60, %dma_wait3A] : memref<80x128xi32, #tpu.memory_space<vmem>> -> memref<1x128xi32, #tpu.memory_space<vmem>>
      %dma_wait3A_67 = tpu.memref_squeeze %dma_wait3A_66 : memref<1x128xi32, #tpu.memory_space<vmem>> -> memref<128xi32, #tpu.memory_space<vmem>>
      %dma_wait3A_68 = arith.constant 0 : i32
      %dma_wait3A_69 = arith.constant 0 : i32
      %dma_wait3A_70 = tpu.memref_slice %arg2[%dma_wait3A_68, %dma_wait3A_69] : memref<10000x128xf32, #tpu.memory_space<hbm>> -> memref<10000x128xf32, #tpu.memory_space<hbm>>
      tpu.wait_indirect_dma semaphore(%arg15 : memref<!tpu.dma_semaphore, #tpu.memory_space<semaphore_mem>>) src(%dma_wait3A_70 : memref<10000x128xf32, #tpu.memory_space<hbm>>) dst(%arg11 : memref<128x128xf32, #tpu.memory_space<vmem>>)
      "tpu.region"() ({
        %run_scoped3A = tpu.sem_alloc : memref<!tpu.dma_semaphore, #tpu.memory_space<semaphore_mem>>
        %dma_start3A_71 = arith.constant 0 : i32
        %dma_start3A_72 = tpu.memref_slice %arg10[%scan3A_60, %dma_start3A_71] : memref<80x128xi32, #tpu.memory_space<vmem>> -> memref<1x128xi32, #tpu.memory_space<vmem>>
        %dma_start3A_73 = tpu.memref_squeeze %dma_start3A_72 : memref<1x128xi32, #tpu.memory_space<vmem>> -> memref<128xi32, #tpu.memory_space<vmem>>
        %dma_start3A_74 = arith.constant 0 : i32
        %dma_start3A_75 = tpu.memref_slice %arg14[%dma_start3A_74] : memref<10240xf32, #tpu.memory_space<vmem_shared>> -> memref<10240xf32, #tpu.memory_space<vmem_shared>>
        tpu.enqueue_indirect_dma source(%arg12 : memref<128xf32, #tpu.memory_space<vmem>>) target(%dma_start3A_75 : memref<10240xf32, #tpu.memory_space<vmem_shared>>) offsets(%dma_start3A_73 : memref<128xi32, #tpu.memory_space<vmem>>) semaphore(%run_scoped3A : memref<!tpu.dma_semaphore, #tpu.memory_space<semaphore_mem>>) {add = true}
        %dma_wait3A_76 = arith.constant 0 : i32
        %dma_wait3A_77 = tpu.memref_slice %arg10[%scan3A_60, %dma_wait3A_76] : memref<80x128xi32, #tpu.memory_space<vmem>> -> memref<1x128xi32, #tpu.memory_space<vmem>>
        %dma_wait3A_78 = tpu.memref_squeeze %dma_wait3A_77 : memref<1x128xi32, #tpu.memory_space<vmem>> -> memref<128xi32, #tpu.memory_space<vmem>>
        %dma_wait3A_79 = arith.constant 0 : i32
        %dma_wait3A_80 = tpu.memref_slice %arg14[%dma_wait3A_79] : memref<10240xf32, #tpu.memory_space<vmem_shared>> -> memref<10240xf32, #tpu.memory_space<vmem_shared>>
        tpu.wait_indirect_dma semaphore(%run_scoped3A : memref<!tpu.dma_semaphore, #tpu.memory_space<semaphore_mem>>) src(%arg12 : memref<128xf32, #tpu.memory_space<vmem>>) dst(%dma_wait3A_80 : memref<10240xf32, #tpu.memory_space<vmem_shared>>)
        tpu.yield
      }) : () -> ()
      "tpu.region"() ({
        %run_scoped3A = tpu.sem_alloc : memref<!tpu.dma_semaphore, #tpu.memory_space<semaphore_mem>>
        %dma_start3A_71 = arith.constant 0 : i32
        %dma_start3A_72 = tpu.memref_slice %arg10[%scan3A_60, %dma_start3A_71] : memref<80x128xi32, #tpu.memory_space<vmem>> -> memref<1x128xi32, #tpu.memory_space<vmem>>
        %dma_start3A_73 = tpu.memref_squeeze %dma_start3A_72 : memref<1x128xi32, #tpu.memory_space<vmem>> -> memref<128xi32, #tpu.memory_space<vmem>>
        %dma_start3A_74 = arith.constant 0 : i32
        %dma_start3A_75 = arith.constant 0 : i32
        %dma_start3A_76 = tpu.memref_slice %arg13[%dma_start3A_74, %dma_start3A_75] : memref<10240x128xf32, #tpu.memory_space<vmem_shared>> -> memref<10240x128xf32, #tpu.memory_space<vmem_shared>>
        tpu.enqueue_indirect_dma source(%arg11 : memref<128x128xf32, #tpu.memory_space<vmem>>) target(%dma_start3A_76 : memref<10240x128xf32, #tpu.memory_space<vmem_shared>>) offsets(%dma_start3A_73 : memref<128xi32, #tpu.memory_space<vmem>>) semaphore(%run_scoped3A : memref<!tpu.dma_semaphore, #tpu.memory_space<semaphore_mem>>) {add = true}
        %dma_wait3A_77 = arith.constant 0 : i32
        %dma_wait3A_78 = tpu.memref_slice %arg10[%scan3A_60, %dma_wait3A_77] : memref<80x128xi32, #tpu.memory_space<vmem>> -> memref<1x128xi32, #tpu.memory_space<vmem>>
        %dma_wait3A_79 = tpu.memref_squeeze %dma_wait3A_78 : memref<1x128xi32, #tpu.memory_space<vmem>> -> memref<128xi32, #tpu.memory_space<vmem>>
        %dma_wait3A_80 = arith.constant 0 : i32
        %dma_wait3A_81 = arith.constant 0 : i32
        %dma_wait3A_82 = tpu.memref_slice %arg13[%dma_wait3A_80, %dma_wait3A_81] : memref<10240x128xf32, #tpu.memory_space<vmem_shared>> -> memref<10240x128xf32, #tpu.memory_space<vmem_shared>>
        tpu.wait_indirect_dma semaphore(%run_scoped3A : memref<!tpu.dma_semaphore, #tpu.memory_space<semaphore_mem>>) src(%arg11 : memref<128x128xf32, #tpu.memory_space<vmem>>) dst(%dma_wait3A_82 : memref<10240x128xf32, #tpu.memory_space<vmem_shared>>)
        tpu.yield
      }) : () -> ()
    }
    %scan3A_58 = arith.constant 80 : i32
    %barrier3A_59 = arith.constant 0 : index
    tpu.barrier barrier_id(%barrier3A_59)
    "tpu.region"() ({
      %run_scoped3A = tpu.sem_alloc : memref<!tpu.dma_semaphore, #tpu.memory_space<semaphore_mem>>
      %dma_start3A = arith.constant 0 : i32
      %dma_start3A_60 = arith.constant 0 : i32
      %dma_start3A_61 = tpu.memref_slice %arg7[%arg0, %dma_start3A, %dma_start3A_60] : memref<2x10240x128xf32, #tpu.memory_space<hbm>> -> memref<1x10240x128xf32, #tpu.memory_space<hbm>>
      %dma_start3A_62 = tpu.memref_squeeze %dma_start3A_61 : memref<1x10240x128xf32, #tpu.memory_space<hbm>> -> memref<10240x128xf32, #tpu.memory_space<hbm>>
      %dma_start3A_63 = arith.constant 0 : i32
      %dma_start3A_64 = tpu.memref_slice %dma_start3A_62[%mul3A_2, %dma_start3A_63] : memref<10240x128xf32, #tpu.memory_space<hbm>> -> memref<640x128xf32, #tpu.memory_space<hbm>>
      %dma_start3A_65 = arith.constant 0 : i32
      %dma_start3A_66 = tpu.memref_slice %arg13[%mul3A_2, %dma_start3A_65] : memref<10240x128xf32, #tpu.memory_space<vmem_shared>> -> memref<640x128xf32, #tpu.memory_space<vmem_shared>>
      tpu.enqueue_dma source(%dma_start3A_66 : memref<640x128xf32, #tpu.memory_space<vmem_shared>>) target(%dma_start3A_64 : memref<640x128xf32, #tpu.memory_space<hbm>>) target_semaphore(%run_scoped3A : memref<!tpu.dma_semaphore, #tpu.memory_space<semaphore_mem>>)
      %dma_wait3A = arith.constant 0 : i32
      %dma_wait3A_67 = arith.constant 0 : i32
      %dma_wait3A_68 = tpu.memref_slice %arg7[%arg0, %dma_wait3A, %dma_wait3A_67] : memref<2x10240x128xf32, #tpu.memory_space<hbm>> -> memref<1x10240x128xf32, #tpu.memory_space<hbm>>
      %dma_wait3A_69 = tpu.memref_squeeze %dma_wait3A_68 : memref<1x10240x128xf32, #tpu.memory_space<hbm>> -> memref<10240x128xf32, #tpu.memory_space<hbm>>
      %dma_wait3A_70 = arith.constant 0 : i32
      %dma_wait3A_71 = tpu.memref_slice %dma_wait3A_69[%mul3A_2, %dma_wait3A_70] : memref<10240x128xf32, #tpu.memory_space<hbm>> -> memref<640x128xf32, #tpu.memory_space<hbm>>
      %dma_wait3A_72 = arith.constant 0 : i32
      %dma_wait3A_73 = tpu.memref_slice %arg13[%mul3A_2, %dma_wait3A_72] : memref<10240x128xf32, #tpu.memory_space<vmem_shared>> -> memref<640x128xf32, #tpu.memory_space<vmem_shared>>
      tpu.wait_dma2 semaphore(%run_scoped3A : memref<!tpu.dma_semaphore, #tpu.memory_space<semaphore_mem>>) src(%dma_wait3A_73 : memref<640x128xf32, #tpu.memory_space<vmem_shared>>) dst(%dma_wait3A_71 : memref<640x128xf32, #tpu.memory_space<hbm>>)
      tpu.yield
    }) : () -> ()
    "tpu.region"() ({
      %run_scoped3A = tpu.sem_alloc : memref<!tpu.dma_semaphore, #tpu.memory_space<semaphore_mem>>
      %dma_start3A = arith.constant 0 : i32
      %dma_start3A_60 = tpu.memref_slice %arg8[%arg0, %dma_start3A] : memref<2x10240xf32, #tpu.memory_space<hbm>> -> memref<1x10240xf32, #tpu.memory_space<hbm>>
      %dma_start3A_61 = tpu.memref_squeeze %dma_start3A_60 : memref<1x10240xf32, #tpu.memory_space<hbm>> -> memref<10240xf32, #tpu.memory_space<hbm>>
      %dma_start3A_62 = tpu.memref_slice %dma_start3A_61[%mul3A_2] : memref<10240xf32, #tpu.memory_space<hbm>> -> memref<640xf32, #tpu.memory_space<hbm>>
      %dma_start3A_63 = tpu.memref_slice %arg14[%mul3A_2] : memref<10240xf32, #tpu.memory_space<vmem_shared>> -> memref<640xf32, #tpu.memory_space<vmem_shared>>
      tpu.enqueue_dma source(%dma_start3A_63 : memref<640xf32, #tpu.memory_space<vmem_shared>>) target(%dma_start3A_62 : memref<640xf32, #tpu.memory_space<hbm>>) target_semaphore(%run_scoped3A : memref<!tpu.dma_semaphore, #tpu.memory_space<semaphore_mem>>)
      %dma_wait3A = arith.constant 0 : i32
      %dma_wait3A_64 = tpu.memref_slice %arg8[%arg0, %dma_wait3A] : memref<2x10240xf32, #tpu.memory_space<hbm>> -> memref<1x10240xf32, #tpu.memory_space<hbm>>
      %dma_wait3A_65 = tpu.memref_squeeze %dma_wait3A_64 : memref<1x10240xf32, #tpu.memory_space<hbm>> -> memref<10240xf32, #tpu.memory_space<hbm>>
      %dma_wait3A_66 = tpu.memref_slice %dma_wait3A_65[%mul3A_2] : memref<10240xf32, #tpu.memory_space<hbm>> -> memref<640xf32, #tpu.memory_space<hbm>>
      %dma_wait3A_67 = tpu.memref_slice %arg14[%mul3A_2] : memref<10240xf32, #tpu.memory_space<vmem_shared>> -> memref<640xf32, #tpu.memory_space<vmem_shared>>
      tpu.wait_dma2 semaphore(%run_scoped3A : memref<!tpu.dma_semaphore, #tpu.memory_space<semaphore_mem>>) src(%dma_wait3A_67 : memref<640xf32, #tpu.memory_space<vmem_shared>>) dst(%dma_wait3A_66 : memref<640xf32, #tpu.memory_space<hbm>>)
      tpu.yield
    }) : () -> ()
    return
  }
}

#map = affine_map<(d0, d1) -> (0, 0)>
#map1 = affine_map<(d0, d1) -> (0, 0, 0)>
module attributes {stable_mosaic.version = 14 : i64} {
  func.func @sc_segsum(%arg0: i32, %arg1: i32, %arg2: memref<10000x128xf32, #tpu.memory_space<hbm>>, %arg3: memref<32x80x128xi32, #tpu.memory_space<hbm>>, %arg4: memref<32x80x128xi32, #tpu.memory_space<hbm>>, %arg5: memref<10240x128xf32, #tpu.memory_space<hbm>>, %arg6: memref<2x10240x128xf32, #tpu.memory_space<hbm>>, %arg7: memref<80x128xi32, #tpu.memory_space<vmem>>, %arg8: memref<80x128xi32, #tpu.memory_space<vmem>>, %arg9: memref<128x128xf32, #tpu.memory_space<vmem>>, %arg10: memref<10240x128xf32, #tpu.memory_space<vmem_shared>>, %arg11: memref<!tpu.dma_semaphore, #tpu.memory_space<semaphore_mem>>) attributes {dimension_semantics = [#tpu.dimension_semantics<core_parallel>, #tpu.dimension_semantics<subcore_parallel>], iteration_bounds = array<i64: 2, 16>, scalar_prefetch = 0 : i64, scratch_operands = 5 : i64, tpu.core_type = #tpu.core_type<sc_vector_subcore>, window_params = [{transform_indices = #map}, {transform_indices = #map1}, {transform_indices = #map1}, {transform_indices = #map}, {transform_indices = #map1}]} {
    %mul3A = arith.constant 16 : i32
    %mul3A_0 = arith.muli %arg0, %mul3A : i32
    %add3A = arith.addi %mul3A_0, %arg1 : i32
    %mul3A_1 = arith.constant 640 : i32
    %mul3A_2 = arith.muli %arg1, %mul3A_1 : i32
    %mul3A_3 = arith.constant 16 : i32
    %mul3A_4 = arith.muli %arg0, %mul3A_3 : i32
    %add3A_5 = arith.addi %mul3A_4, %arg1 : i32
    %mul3A_6 = arith.constant 640 : i32
    %mul3A_7 = arith.muli %arg1, %mul3A_6 : i32
    "tpu.region"() ({
      %run_scoped3A = tpu.sem_alloc : memref<!tpu.dma_semaphore, #tpu.memory_space<semaphore_mem>>
      %dma_start3A = arith.constant 0 : i32
      %dma_start3A_14 = tpu.memref_slice %arg10[%mul3A_7, %dma_start3A] : memref<10240x128xf32, #tpu.memory_space<vmem_shared>> -> memref<640x128xf32, #tpu.memory_space<vmem_shared>>
      %dma_start3A_15 = arith.constant 0 : i32
      %dma_start3A_16 = tpu.memref_slice %arg5[%mul3A_7, %dma_start3A_15] : memref<10240x128xf32, #tpu.memory_space<hbm>> -> memref<640x128xf32, #tpu.memory_space<hbm>>
      tpu.enqueue_dma source(%dma_start3A_16 : memref<640x128xf32, #tpu.memory_space<hbm>>) target(%dma_start3A_14 : memref<640x128xf32, #tpu.memory_space<vmem_shared>>) target_semaphore(%run_scoped3A : memref<!tpu.dma_semaphore, #tpu.memory_space<semaphore_mem>>)
      %dma_wait3A = arith.constant 0 : i32
      %dma_wait3A_17 = tpu.memref_slice %arg10[%mul3A_7, %dma_wait3A] : memref<10240x128xf32, #tpu.memory_space<vmem_shared>> -> memref<640x128xf32, #tpu.memory_space<vmem_shared>>
      %dma_wait3A_18 = arith.constant 0 : i32
      %dma_wait3A_19 = tpu.memref_slice %arg5[%mul3A_7, %dma_wait3A_18] : memref<10240x128xf32, #tpu.memory_space<hbm>> -> memref<640x128xf32, #tpu.memory_space<hbm>>
      tpu.wait_dma2 semaphore(%run_scoped3A : memref<!tpu.dma_semaphore, #tpu.memory_space<semaphore_mem>>) src(%dma_wait3A_19 : memref<640x128xf32, #tpu.memory_space<hbm>>) dst(%dma_wait3A_17 : memref<640x128xf32, #tpu.memory_space<vmem_shared>>)
      tpu.yield
    }) : () -> ()
    "tpu.region"() ({
      %run_scoped3A = tpu.sem_alloc : memref<!tpu.dma_semaphore, #tpu.memory_space<semaphore_mem>>
      %dma_start3A = arith.constant 0 : i32
      %dma_start3A_14 = arith.constant 0 : i32
      %dma_start3A_15 = tpu.memref_slice %arg3[%add3A_5, %dma_start3A, %dma_start3A_14] : memref<32x80x128xi32, #tpu.memory_space<hbm>> -> memref<1x80x128xi32, #tpu.memory_space<hbm>>
      %dma_start3A_16 = tpu.memref_squeeze %dma_start3A_15 : memref<1x80x128xi32, #tpu.memory_space<hbm>> -> memref<80x128xi32, #tpu.memory_space<hbm>>
      %dma_start3A_17 = arith.constant 0 : i32
      %dma_start3A_18 = arith.constant 0 : i32
      %dma_start3A_19 = tpu.memref_slice %arg3[%add3A_5, %dma_start3A_17, %dma_start3A_18] : memref<32x80x128xi32, #tpu.memory_space<hbm>> -> memref<1x80x128xi32, #tpu.memory_space<hbm>>
      %dma_start3A_20 = tpu.memref_squeeze %dma_start3A_19 : memref<1x80x128xi32, #tpu.memory_space<hbm>> -> memref<80x128xi32, #tpu.memory_space<hbm>>
      tpu.enqueue_dma source(%dma_start3A_20 : memref<80x128xi32, #tpu.memory_space<hbm>>) target(%arg7 : memref<80x128xi32, #tpu.memory_space<vmem>>) target_semaphore(%run_scoped3A : memref<!tpu.dma_semaphore, #tpu.memory_space<semaphore_mem>>)
      %dma_wait3A = arith.constant 0 : i32
      %dma_wait3A_21 = arith.constant 0 : i32
      %dma_wait3A_22 = tpu.memref_slice %arg3[%add3A_5, %dma_wait3A, %dma_wait3A_21] : memref<32x80x128xi32, #tpu.memory_space<hbm>> -> memref<1x80x128xi32, #tpu.memory_space<hbm>>
      %dma_wait3A_23 = tpu.memref_squeeze %dma_wait3A_22 : memref<1x80x128xi32, #tpu.memory_space<hbm>> -> memref<80x128xi32, #tpu.memory_space<hbm>>
      %dma_wait3A_24 = arith.constant 0 : i32
      %dma_wait3A_25 = arith.constant 0 : i32
      %dma_wait3A_26 = tpu.memref_slice %arg3[%add3A_5, %dma_wait3A_24, %dma_wait3A_25] : memref<32x80x128xi32, #tpu.memory_space<hbm>> -> memref<1x80x128xi32, #tpu.memory_space<hbm>>
      %dma_wait3A_27 = tpu.memref_squeeze %dma_wait3A_26 : memref<1x80x128xi32, #tpu.memory_space<hbm>> -> memref<80x128xi32, #tpu.memory_space<hbm>>
      tpu.wait_dma2 semaphore(%run_scoped3A : memref<!tpu.dma_semaphore, #tpu.memory_space<semaphore_mem>>) src(%dma_wait3A_27 : memref<80x128xi32, #tpu.memory_space<hbm>>) dst(%arg7 : memref<80x128xi32, #tpu.memory_space<vmem>>)
      tpu.yield
    }) : () -> ()
    %barrier3A = arith.constant 0 : index
    tpu.barrier barrier_id(%barrier3A)
    "tpu.region"() ({
      %run_scoped3A = tpu.sem_alloc : memref<!tpu.dma_semaphore, #tpu.memory_space<semaphore_mem>>
      %dma_start3A = arith.constant 0 : i32
      %dma_start3A_14 = arith.constant 0 : i32
      %dma_start3A_15 = tpu.memref_slice %arg4[%add3A, %dma_start3A, %dma_start3A_14] : memref<32x80x128xi32, #tpu.memory_space<hbm>> -> memref<1x80x128xi32, #tpu.memory_space<hbm>>
      %dma_start3A_16 = tpu.memref_squeeze %dma_start3A_15 : memref<1x80x128xi32, #tpu.memory_space<hbm>> -> memref<80x128xi32, #tpu.memory_space<hbm>>
      %dma_start3A_17 = arith.constant 0 : i32
      %dma_start3A_18 = arith.constant 0 : i32
      %dma_start3A_19 = tpu.memref_slice %arg4[%add3A, %dma_start3A_17, %dma_start3A_18] : memref<32x80x128xi32, #tpu.memory_space<hbm>> -> memref<1x80x128xi32, #tpu.memory_space<hbm>>
      %dma_start3A_20 = tpu.memref_squeeze %dma_start3A_19 : memref<1x80x128xi32, #tpu.memory_space<hbm>> -> memref<80x128xi32, #tpu.memory_space<hbm>>
      tpu.enqueue_dma source(%dma_start3A_20 : memref<80x128xi32, #tpu.memory_space<hbm>>) target(%arg8 : memref<80x128xi32, #tpu.memory_space<vmem>>) target_semaphore(%run_scoped3A : memref<!tpu.dma_semaphore, #tpu.memory_space<semaphore_mem>>)
      %dma_wait3A = arith.constant 0 : i32
      %dma_wait3A_21 = arith.constant 0 : i32
      %dma_wait3A_22 = tpu.memref_slice %arg4[%add3A, %dma_wait3A, %dma_wait3A_21] : memref<32x80x128xi32, #tpu.memory_space<hbm>> -> memref<1x80x128xi32, #tpu.memory_space<hbm>>
      %dma_wait3A_23 = tpu.memref_squeeze %dma_wait3A_22 : memref<1x80x128xi32, #tpu.memory_space<hbm>> -> memref<80x128xi32, #tpu.memory_space<hbm>>
      %dma_wait3A_24 = arith.constant 0 : i32
      %dma_wait3A_25 = arith.constant 0 : i32
      %dma_wait3A_26 = tpu.memref_slice %arg4[%add3A, %dma_wait3A_24, %dma_wait3A_25] : memref<32x80x128xi32, #tpu.memory_space<hbm>> -> memref<1x80x128xi32, #tpu.memory_space<hbm>>
      %dma_wait3A_27 = tpu.memref_squeeze %dma_wait3A_26 : memref<1x80x128xi32, #tpu.memory_space<hbm>> -> memref<80x128xi32, #tpu.memory_space<hbm>>
      tpu.wait_dma2 semaphore(%run_scoped3A : memref<!tpu.dma_semaphore, #tpu.memory_space<semaphore_mem>>) src(%dma_wait3A_27 : memref<80x128xi32, #tpu.memory_space<hbm>>) dst(%arg8 : memref<80x128xi32, #tpu.memory_space<vmem>>)
      tpu.yield
    }) : () -> ()
    %scan3A = arith.constant 0 : i32
    %scan3A_8 = arith.constant 0 : i32
    %scan3A_9 = arith.constant 80 : i32
    %scan3A_10 = arith.addi %scan3A_8, %scan3A_9 : i32
    %scan3A_11 = arith.constant 1 : i32
    scf.for %scan3A_14 = %scan3A_8 to %scan3A_10 step %scan3A_11  : i32 {
      %dma_start3A = arith.constant 0 : i32
      %dma_start3A_15 = tpu.memref_slice %arg7[%scan3A_14, %dma_start3A] : memref<80x128xi32, #tpu.memory_space<vmem>> -> memref<1x128xi32, #tpu.memory_space<vmem>>
      %dma_start3A_16 = tpu.memref_squeeze %dma_start3A_15 : memref<1x128xi32, #tpu.memory_space<vmem>> -> memref<128xi32, #tpu.memory_space<vmem>>
      %dma_start3A_17 = arith.constant 0 : i32
      %dma_start3A_18 = arith.constant 0 : i32
      %dma_start3A_19 = tpu.memref_slice %arg2[%dma_start3A_17, %dma_start3A_18] : memref<10000x128xf32, #tpu.memory_space<hbm>> -> memref<10000x128xf32, #tpu.memory_space<hbm>>
      tpu.enqueue_indirect_dma source(%dma_start3A_19 : memref<10000x128xf32, #tpu.memory_space<hbm>>) target(%arg9 : memref<128x128xf32, #tpu.memory_space<vmem>>) offsets(%dma_start3A_16 : memref<128xi32, #tpu.memory_space<vmem>>) semaphore(%arg11 : memref<!tpu.dma_semaphore, #tpu.memory_space<semaphore_mem>>)
      %dma_wait3A = arith.constant 0 : i32
      %dma_wait3A_20 = tpu.memref_slice %arg7[%scan3A_14, %dma_wait3A] : memref<80x128xi32, #tpu.memory_space<vmem>> -> memref<1x128xi32, #tpu.memory_space<vmem>>
      %dma_wait3A_21 = tpu.memref_squeeze %dma_wait3A_20 : memref<1x128xi32, #tpu.memory_space<vmem>> -> memref<128xi32, #tpu.memory_space<vmem>>
      %dma_wait3A_22 = arith.constant 0 : i32
      %dma_wait3A_23 = arith.constant 0 : i32
      %dma_wait3A_24 = tpu.memref_slice %arg2[%dma_wait3A_22, %dma_wait3A_23] : memref<10000x128xf32, #tpu.memory_space<hbm>> -> memref<10000x128xf32, #tpu.memory_space<hbm>>
      tpu.wait_indirect_dma semaphore(%arg11 : memref<!tpu.dma_semaphore, #tpu.memory_space<semaphore_mem>>) src(%dma_wait3A_24 : memref<10000x128xf32, #tpu.memory_space<hbm>>) dst(%arg9 : memref<128x128xf32, #tpu.memory_space<vmem>>)
      "tpu.region"() ({
        %run_scoped3A = tpu.sem_alloc : memref<!tpu.dma_semaphore, #tpu.memory_space<semaphore_mem>>
        %dma_start3A_25 = arith.constant 0 : i32
        %dma_start3A_26 = tpu.memref_slice %arg8[%scan3A_14, %dma_start3A_25] : memref<80x128xi32, #tpu.memory_space<vmem>> -> memref<1x128xi32, #tpu.memory_space<vmem>>
        %dma_start3A_27 = tpu.memref_squeeze %dma_start3A_26 : memref<1x128xi32, #tpu.memory_space<vmem>> -> memref<128xi32, #tpu.memory_space<vmem>>
        %dma_start3A_28 = arith.constant 0 : i32
        %dma_start3A_29 = arith.constant 0 : i32
        %dma_start3A_30 = tpu.memref_slice %arg10[%dma_start3A_28, %dma_start3A_29] : memref<10240x128xf32, #tpu.memory_space<vmem_shared>> -> memref<10240x128xf32, #tpu.memory_space<vmem_shared>>
        tpu.enqueue_indirect_dma source(%arg9 : memref<128x128xf32, #tpu.memory_space<vmem>>) target(%dma_start3A_30 : memref<10240x128xf32, #tpu.memory_space<vmem_shared>>) offsets(%dma_start3A_27 : memref<128xi32, #tpu.memory_space<vmem>>) semaphore(%run_scoped3A : memref<!tpu.dma_semaphore, #tpu.memory_space<semaphore_mem>>) {add = true}
        %dma_wait3A_31 = arith.constant 0 : i32
        %dma_wait3A_32 = tpu.memref_slice %arg8[%scan3A_14, %dma_wait3A_31] : memref<80x128xi32, #tpu.memory_space<vmem>> -> memref<1x128xi32, #tpu.memory_space<vmem>>
        %dma_wait3A_33 = tpu.memref_squeeze %dma_wait3A_32 : memref<1x128xi32, #tpu.memory_space<vmem>> -> memref<128xi32, #tpu.memory_space<vmem>>
        %dma_wait3A_34 = arith.constant 0 : i32
        %dma_wait3A_35 = arith.constant 0 : i32
        %dma_wait3A_36 = tpu.memref_slice %arg10[%dma_wait3A_34, %dma_wait3A_35] : memref<10240x128xf32, #tpu.memory_space<vmem_shared>> -> memref<10240x128xf32, #tpu.memory_space<vmem_shared>>
        tpu.wait_indirect_dma semaphore(%run_scoped3A : memref<!tpu.dma_semaphore, #tpu.memory_space<semaphore_mem>>) src(%arg9 : memref<128x128xf32, #tpu.memory_space<vmem>>) dst(%dma_wait3A_36 : memref<10240x128xf32, #tpu.memory_space<vmem_shared>>)
        tpu.yield
      }) : () -> ()
    }
    %scan3A_12 = arith.constant 80 : i32
    %barrier3A_13 = arith.constant 0 : index
    tpu.barrier barrier_id(%barrier3A_13)
    "tpu.region"() ({
      %run_scoped3A = tpu.sem_alloc : memref<!tpu.dma_semaphore, #tpu.memory_space<semaphore_mem>>
      %dma_start3A = arith.constant 0 : i32
      %dma_start3A_14 = arith.constant 0 : i32
      %dma_start3A_15 = tpu.memref_slice %arg6[%arg0, %dma_start3A, %dma_start3A_14] : memref<2x10240x128xf32, #tpu.memory_space<hbm>> -> memref<1x10240x128xf32, #tpu.memory_space<hbm>>
      %dma_start3A_16 = tpu.memref_squeeze %dma_start3A_15 : memref<1x10240x128xf32, #tpu.memory_space<hbm>> -> memref<10240x128xf32, #tpu.memory_space<hbm>>
      %dma_start3A_17 = arith.constant 0 : i32
      %dma_start3A_18 = tpu.memref_slice %dma_start3A_16[%mul3A_2, %dma_start3A_17] : memref<10240x128xf32, #tpu.memory_space<hbm>> -> memref<640x128xf32, #tpu.memory_space<hbm>>
      %dma_start3A_19 = arith.constant 0 : i32
      %dma_start3A_20 = tpu.memref_slice %arg10[%mul3A_2, %dma_start3A_19] : memref<10240x128xf32, #tpu.memory_space<vmem_shared>> -> memref<640x128xf32, #tpu.memory_space<vmem_shared>>
      tpu.enqueue_dma source(%dma_start3A_20 : memref<640x128xf32, #tpu.memory_space<vmem_shared>>) target(%dma_start3A_18 : memref<640x128xf32, #tpu.memory_space<hbm>>) target_semaphore(%run_scoped3A : memref<!tpu.dma_semaphore, #tpu.memory_space<semaphore_mem>>)
      %dma_wait3A = arith.constant 0 : i32
      %dma_wait3A_21 = arith.constant 0 : i32
      %dma_wait3A_22 = tpu.memref_slice %arg6[%arg0, %dma_wait3A, %dma_wait3A_21] : memref<2x10240x128xf32, #tpu.memory_space<hbm>> -> memref<1x10240x128xf32, #tpu.memory_space<hbm>>
      %dma_wait3A_23 = tpu.memref_squeeze %dma_wait3A_22 : memref<1x10240x128xf32, #tpu.memory_space<hbm>> -> memref<10240x128xf32, #tpu.memory_space<hbm>>
      %dma_wait3A_24 = arith.constant 0 : i32
      %dma_wait3A_25 = tpu.memref_slice %dma_wait3A_23[%mul3A_2, %dma_wait3A_24] : memref<10240x128xf32, #tpu.memory_space<hbm>> -> memref<640x128xf32, #tpu.memory_space<hbm>>
      %dma_wait3A_26 = arith.constant 0 : i32
      %dma_wait3A_27 = tpu.memref_slice %arg10[%mul3A_2, %dma_wait3A_26] : memref<10240x128xf32, #tpu.memory_space<vmem_shared>> -> memref<640x128xf32, #tpu.memory_space<vmem_shared>>
      tpu.wait_dma2 semaphore(%run_scoped3A : memref<!tpu.dma_semaphore, #tpu.memory_space<semaphore_mem>>) src(%dma_wait3A_27 : memref<640x128xf32, #tpu.memory_space<vmem_shared>>) dst(%dma_wait3A_25 : memref<640x128xf32, #tpu.memory_space<hbm>>)
      tpu.yield
    }) : () -> ()
    return
  }
}

module attributes {stable_mosaic.version = 14 : i64} {
  func.func @_tc_body(%arg0: i32, %arg1: memref<1x1000x128xf32, #tpu.memory_space<vmem>>, %arg2: memref<1x1000x128xf32, #tpu.memory_space<vmem>>, %arg3: memref<1000x2xf32, #tpu.memory_space<vmem>>, %arg4: memref<1000x128xf32, #tpu.memory_space<vmem>>, %arg5: memref<128x128xf32, #tpu.memory_space<vmem>>, %arg6: memref<128x128xf32, #tpu.memory_space<vmem>>, %arg7: memref<1x128xf32, #tpu.memory_space<vmem>>, %arg8: memref<1000x128xf32, #tpu.memory_space<vmem>>) attributes {dimension_semantics = [#tpu.dimension_semantics<arbitrary>], iteration_bounds = array<i64: 10>, scalar_prefetch = 0 : i64, scratch_operands = 0 : i64, tpu.core_type = #tpu.core_type<tc>, window_params = [{transform_indices = @transform_0, window_bounds = array<i64: 1, 1000, 128>}, {transform_indices = @transform_1, window_bounds = array<i64: 1, 1000, 128>}, {transform_indices = @transform_2, window_bounds = array<i64: 1000, 2>}, {transform_indices = @transform_3, window_bounds = array<i64: 1000, 128>}, {pipeline_mode = #tpu.pipeline_mode<synchronous>, transform_indices = @transform_4, window_bounds = array<i64: 128, 128>}, {pipeline_mode = #tpu.pipeline_mode<synchronous>, transform_indices = @transform_5, window_bounds = array<i64: 128, 128>}, {pipeline_mode = #tpu.pipeline_mode<synchronous>, transform_indices = @transform_6, window_bounds = array<i64: 1, 128>}, {transform_indices = @transform_7, window_bounds = array<i64: 1000, 128>}]} {
    %get3A = arith.constant 0 : index
    %get3A_0 = arith.constant 0 : index
    %get3A_1 = vector.load %arg3[%get3A, %get3A_0] : memref<1000x2xf32, #tpu.memory_space<vmem>>, vector<1000x1xf32>
    %get3A_2 = arith.constant 0 : index
    %get3A_3 = arith.constant 1 : index
    %get3A_4 = vector.load %arg3[%get3A_2, %get3A_3] : memref<1000x2xf32, #tpu.memory_space<vmem>>, vector<1000x1xf32>
    %add3A = arith.addf %get3A_1, %get3A_4 : vector<1000x1xf32>
    %max3A = arith.constant 1.000000e+00 : f32
    %max3A_5 = vector.broadcast %max3A : f32 to vector<1000x1xf32>
    %max3A_6 = arith.maximumf %add3A, %max3A_5 : vector<1000x1xf32>
    %div3A = arith.constant 1.000000e+00 : f32
    %div3A_7 = vector.broadcast %div3A : f32 to vector<1000x1xf32>
    %div3A_8 = arith.divf %div3A_7, %max3A_6 : vector<1000x1xf32>
    %get3A_9 = arith.constant 0 : index
    %get3A_10 = arith.constant 0 : index
    %get3A_11 = arith.constant 0 : index
    %get3A_12 = vector.load %arg1[%get3A_9, %get3A_10, %get3A_11] : memref<1x1000x128xf32, #tpu.memory_space<vmem>>, vector<1x1000x128xf32>
    %get3A_13 = vector.shape_cast %get3A_12 : vector<1x1000x128xf32> to vector<1000x128xf32>
    %get3A_14 = arith.constant 0 : index
    %get3A_15 = arith.constant 0 : index
    %get3A_16 = arith.constant 0 : index
    %get3A_17 = vector.load %arg2[%get3A_14, %get3A_15, %get3A_16] : memref<1x1000x128xf32, #tpu.memory_space<vmem>>, vector<1x1000x128xf32>
    %get3A_18 = vector.shape_cast %get3A_17 : vector<1x1000x128xf32> to vector<1000x128xf32>
    %add3A_19 = arith.addf %get3A_13, %get3A_18 : vector<1000x128xf32>
    %mul3A = vector.broadcast %div3A_8 : vector<1000x1xf32> to vector<1000x128xf32>
    %mul3A_20 = arith.mulf %add3A_19, %mul3A : vector<1000x128xf32>
    %get3A_21 = arith.constant 0 : index
    %get3A_22 = arith.constant 0 : index
    %get3A_23 = vector.load %arg5[%get3A_21, %get3A_22] : memref<128x128xf32, #tpu.memory_space<vmem>>, vector<128x128xf32>
    %dot_general3A = arith.constant dense<0.000000e+00> : vector<1000x128xf32>
    %dot_general3A_24 = tpu.matmul %mul3A_20, %get3A_23, %dot_general3A {dimension_numbers = #tpu.dot_dimension_numbers<[1], [0], [0], [1], [0, 0, 1, 1], [], []>, transpose_lhs_hint = false} : vector<1000x128xf32>, vector<128x128xf32>, vector<1000x128xf32> -> vector<1000x128xf32>
    %get3A_25 = arith.constant 0 : index
    %get3A_26 = arith.constant 0 : index
    %get3A_27 = vector.load %arg4[%get3A_25, %get3A_26] : memref<1000x128xf32, #tpu.memory_space<vmem>>, vector<1000x128xf32>
    %get3A_28 = arith.constant 0 : index
    %get3A_29 = arith.constant 0 : index
    %get3A_30 = vector.load %arg6[%get3A_28, %get3A_29] : memref<128x128xf32, #tpu.memory_space<vmem>>, vector<128x128xf32>
    %dot_general3A_31 = arith.constant dense<0.000000e+00> : vector<1000x128xf32>
    %dot_general3A_32 = tpu.matmul %get3A_27, %get3A_30, %dot_general3A_31 {dimension_numbers = #tpu.dot_dimension_numbers<[1], [0], [0], [1], [0, 0, 1, 1], [], []>, transpose_lhs_hint = false} : vector<1000x128xf32>, vector<128x128xf32>, vector<1000x128xf32> -> vector<1000x128xf32>
    %add3A_33 = arith.addf %dot_general3A_24, %dot_general3A_32 : vector<1000x128xf32>
    %get3A_34 = arith.constant 0 : index
    %get3A_35 = arith.constant 0 : index
    %get3A_36 = vector.load %arg7[%get3A_34, %get3A_35] : memref<1x128xf32, #tpu.memory_space<vmem>>, vector<1x128xf32>
    %add3A_37 = vector.broadcast %get3A_36 : vector<1x128xf32> to vector<1000x128xf32>
    %add3A_38 = arith.addf %add3A_33, %add3A_37 : vector<1000x128xf32>
    %max3A_39 = arith.constant 0.000000e+00 : f32
    %max3A_40 = vector.broadcast %max3A_39 : f32 to vector<1000x128xf32>
    %max3A_41 = arith.maximumf %add3A_38, %max3A_40 : vector<1000x128xf32>
    %swap3A = arith.constant 0 : index
    %swap3A_42 = arith.constant 0 : index
    %swap3A_43 = vector.load %arg8[%swap3A, %swap3A_42] : memref<1000x128xf32, #tpu.memory_space<vmem>>, vector<1000x128xf32>
    tpu.vector_store %arg8[%swap3A, %swap3A_42], %max3A_41 {strides = array<i32>} : memref<1000x128xf32, #tpu.memory_space<vmem>>, vector<1000x128xf32>,
    return
  }
  func.func @transform_0(%arg0: i32) -> (i32, i32, i32) {
    %c0_i32 = arith.constant 0 : i32
    %c0_i32_0 = arith.constant 0 : i32
    %c0_i32_1 = arith.constant 0 : i32
    return %c0_i32, %arg0, %c0_i32_0 : i32, i32, i32
  }
  func.func @transform_1(%arg0: i32) -> (i32, i32, i32) {
    %c1_i32 = arith.constant 1 : i32
    %c0_i32 = arith.constant 0 : i32
    %c0_i32_0 = arith.constant 0 : i32
    return %c1_i32, %arg0, %c0_i32 : i32, i32, i32
  }
  func.func @transform_2(%arg0: i32) -> (i32, i32) {
    %c0_i32 = arith.constant 0 : i32
    %c0_i32_0 = arith.constant 0 : i32
    return %arg0, %c0_i32 : i32, i32
  }
  func.func @transform_3(%arg0: i32) -> (i32, i32) {
    %c0_i32 = arith.constant 0 : i32
    %c0_i32_0 = arith.constant 0 : i32
    return %arg0, %c0_i32 : i32, i32
  }
  func.func @transform_4(%arg0: i32) -> (i32, i32) {
    %c0_i32 = arith.constant 0 : i32
    %c0_i32_0 = arith.constant 0 : i32
    %c0_i32_1 = arith.constant 0 : i32
    return %c0_i32, %c0_i32_0 : i32, i32
  }
  func.func @transform_5(%arg0: i32) -> (i32, i32) {
    %c0_i32 = arith.constant 0 : i32
    %c0_i32_0 = arith.constant 0 : i32
    %c0_i32_1 = arith.constant 0 : i32
    return %c0_i32, %c0_i32_0 : i32, i32
  }
  func.func @transform_6(%arg0: i32) -> (i32, i32) {
    %c0_i32 = arith.constant 0 : i32
    %c0_i32_0 = arith.constant 0 : i32
    %c0_i32_1 = arith.constant 0 : i32
    return %c0_i32, %c0_i32_0 : i32, i32
  }
  func.func @transform_7(%arg0: i32) -> (i32, i32) {
    %c0_i32 = arith.constant 0 : i32
    %c0_i32_0 = arith.constant 0 : i32
    return %arg0, %c0_i32 : i32, i32
  }
}

module attributes {stable_mosaic.version = 14 : i64} {
  func.func @_tc_body(%arg0: i32, %arg1: memref<1x1000x128xf32, #tpu.memory_space<vmem>>, %arg2: memref<1x1000x128xf32, #tpu.memory_space<vmem>>, %arg3: memref<1000x2xf32, #tpu.memory_space<vmem>>, %arg4: memref<1000x128xf32, #tpu.memory_space<vmem>>, %arg5: memref<128x128xf32, #tpu.memory_space<vmem>>, %arg6: memref<128x128xf32, #tpu.memory_space<vmem>>, %arg7: memref<1x128xf32, #tpu.memory_space<vmem>>, %arg8: memref<1000x128xf32, #tpu.memory_space<vmem>>) attributes {dimension_semantics = [#tpu.dimension_semantics<arbitrary>], iteration_bounds = array<i64: 10>, scalar_prefetch = 0 : i64, scratch_operands = 0 : i64, tpu.core_type = #tpu.core_type<tc>, window_params = [{transform_indices = @transform_0, window_bounds = array<i64: 1, 1000, 128>}, {transform_indices = @transform_1, window_bounds = array<i64: 1, 1000, 128>}, {transform_indices = @transform_2, window_bounds = array<i64: 1000, 2>}, {transform_indices = @transform_3, window_bounds = array<i64: 1000, 128>}, {pipeline_mode = #tpu.pipeline_mode<synchronous>, transform_indices = @transform_4, window_bounds = array<i64: 128, 128>}, {pipeline_mode = #tpu.pipeline_mode<synchronous>, transform_indices = @transform_5, window_bounds = array<i64: 128, 128>}, {pipeline_mode = #tpu.pipeline_mode<synchronous>, transform_indices = @transform_6, window_bounds = array<i64: 1, 128>}, {transform_indices = @transform_7, window_bounds = array<i64: 1000, 128>}]} {
    %get3A = arith.constant 0 : index
    %get3A_0 = arith.constant 0 : index
    %get3A_1 = vector.load %arg3[%get3A, %get3A_0] : memref<1000x2xf32, #tpu.memory_space<vmem>>, vector<1000x1xf32>
    %get3A_2 = arith.constant 0 : index
    %get3A_3 = arith.constant 1 : index
    %get3A_4 = vector.load %arg3[%get3A_2, %get3A_3] : memref<1000x2xf32, #tpu.memory_space<vmem>>, vector<1000x1xf32>
    %add3A = arith.addf %get3A_1, %get3A_4 : vector<1000x1xf32>
    %max3A = arith.constant 1.000000e+00 : f32
    %max3A_5 = vector.broadcast %max3A : f32 to vector<1000x1xf32>
    %max3A_6 = arith.maximumf %add3A, %max3A_5 : vector<1000x1xf32>
    %div3A = arith.constant 1.000000e+00 : f32
    %div3A_7 = vector.broadcast %div3A : f32 to vector<1000x1xf32>
    %div3A_8 = arith.divf %div3A_7, %max3A_6 : vector<1000x1xf32>
    %get3A_9 = arith.constant 0 : index
    %get3A_10 = arith.constant 0 : index
    %get3A_11 = arith.constant 0 : index
    %get3A_12 = vector.load %arg1[%get3A_9, %get3A_10, %get3A_11] : memref<1x1000x128xf32, #tpu.memory_space<vmem>>, vector<1x1000x128xf32>
    %get3A_13 = vector.shape_cast %get3A_12 : vector<1x1000x128xf32> to vector<1000x128xf32>
    %get3A_14 = arith.constant 0 : index
    %get3A_15 = arith.constant 0 : index
    %get3A_16 = arith.constant 0 : index
    %get3A_17 = vector.load %arg2[%get3A_14, %get3A_15, %get3A_16] : memref<1x1000x128xf32, #tpu.memory_space<vmem>>, vector<1x1000x128xf32>
    %get3A_18 = vector.shape_cast %get3A_17 : vector<1x1000x128xf32> to vector<1000x128xf32>
    %add3A_19 = arith.addf %get3A_13, %get3A_18 : vector<1000x128xf32>
    %mul3A = vector.broadcast %div3A_8 : vector<1000x1xf32> to vector<1000x128xf32>
    %mul3A_20 = arith.mulf %add3A_19, %mul3A : vector<1000x128xf32>
    %get3A_21 = arith.constant 0 : index
    %get3A_22 = arith.constant 0 : index
    %get3A_23 = vector.load %arg5[%get3A_21, %get3A_22] : memref<128x128xf32, #tpu.memory_space<vmem>>, vector<128x128xf32>
    %dot_general3A = arith.constant dense<0.000000e+00> : vector<1000x128xf32>
    %dot_general3A_24 = tpu.matmul %mul3A_20, %get3A_23, %dot_general3A {dimension_numbers = #tpu.dot_dimension_numbers<[1], [0], [0], [1], [0, 0, 1, 1], [], []>, transpose_lhs_hint = false} : vector<1000x128xf32>, vector<128x128xf32>, vector<1000x128xf32> -> vector<1000x128xf32>
    %get3A_25 = arith.constant 0 : index
    %get3A_26 = arith.constant 0 : index
    %get3A_27 = vector.load %arg4[%get3A_25, %get3A_26] : memref<1000x128xf32, #tpu.memory_space<vmem>>, vector<1000x128xf32>
    %get3A_28 = arith.constant 0 : index
    %get3A_29 = arith.constant 0 : index
    %get3A_30 = vector.load %arg6[%get3A_28, %get3A_29] : memref<128x128xf32, #tpu.memory_space<vmem>>, vector<128x128xf32>
    %dot_general3A_31 = arith.constant dense<0.000000e+00> : vector<1000x128xf32>
    %dot_general3A_32 = tpu.matmul %get3A_27, %get3A_30, %dot_general3A_31 {dimension_numbers = #tpu.dot_dimension_numbers<[1], [0], [0], [1], [0, 0, 1, 1], [], []>, transpose_lhs_hint = false} : vector<1000x128xf32>, vector<128x128xf32>, vector<1000x128xf32> -> vector<1000x128xf32>
    %add3A_33 = arith.addf %dot_general3A_24, %dot_general3A_32 : vector<1000x128xf32>
    %get3A_34 = arith.constant 0 : index
    %get3A_35 = arith.constant 0 : index
    %get3A_36 = vector.load %arg7[%get3A_34, %get3A_35] : memref<1x128xf32, #tpu.memory_space<vmem>>, vector<1x128xf32>
    %add3A_37 = vector.broadcast %get3A_36 : vector<1x128xf32> to vector<1000x128xf32>
    %add3A_38 = arith.addf %add3A_33, %add3A_37 : vector<1000x128xf32>
    %swap3A = arith.constant 0 : index
    %swap3A_39 = arith.constant 0 : index
    %swap3A_40 = vector.load %arg8[%swap3A, %swap3A_39] : memref<1000x128xf32, #tpu.memory_space<vmem>>, vector<1000x128xf32>
    tpu.vector_store %arg8[%swap3A, %swap3A_39], %add3A_38 {strides = array<i32>} : memref<1000x128xf32, #tpu.memory_space<vmem>>, vector<1000x128xf32>,
    return
  }
  func.func @transform_0(%arg0: i32) -> (i32, i32, i32) {
    %c0_i32 = arith.constant 0 : i32
    %c0_i32_0 = arith.constant 0 : i32
    %c0_i32_1 = arith.constant 0 : i32
    return %c0_i32, %arg0, %c0_i32_0 : i32, i32, i32
  }
  func.func @transform_1(%arg0: i32) -> (i32, i32, i32) {
    %c1_i32 = arith.constant 1 : i32
    %c0_i32 = arith.constant 0 : i32
    %c0_i32_0 = arith.constant 0 : i32
    return %c1_i32, %arg0, %c0_i32 : i32, i32, i32
  }
  func.func @transform_2(%arg0: i32) -> (i32, i32) {
    %c0_i32 = arith.constant 0 : i32
    %c0_i32_0 = arith.constant 0 : i32
    return %arg0, %c0_i32 : i32, i32
  }
  func.func @transform_3(%arg0: i32) -> (i32, i32) {
    %c0_i32 = arith.constant 0 : i32
    %c0_i32_0 = arith.constant 0 : i32
    return %arg0, %c0_i32 : i32, i32
  }
  func.func @transform_4(%arg0: i32) -> (i32, i32) {
    %c0_i32 = arith.constant 0 : i32
    %c0_i32_0 = arith.constant 0 : i32
    %c0_i32_1 = arith.constant 0 : i32
    return %c0_i32, %c0_i32_0 : i32, i32
  }
  func.func @transform_5(%arg0: i32) -> (i32, i32) {
    %c0_i32 = arith.constant 0 : i32
    %c0_i32_0 = arith.constant 0 : i32
    %c0_i32_1 = arith.constant 0 : i32
    return %c0_i32, %c0_i32_0 : i32, i32
  }
  func.func @transform_6(%arg0: i32) -> (i32, i32) {
    %c0_i32 = arith.constant 0 : i32
    %c0_i32_0 = arith.constant 0 : i32
    %c0_i32_1 = arith.constant 0 : i32
    return %c0_i32, %c0_i32_0 : i32, i32
  }
  func.func @transform_7(%arg0: i32) -> (i32, i32) {
    %c0_i32 = arith.constant 0 : i32
    %c0_i32_0 = arith.constant 0 : i32
    return %arg0, %c0_i32 : i32, i32
  }
}

</mosaic_0001>

<sc_bundles>
// kernel: sc_segsum.3.cloned.1.call-start
scs
__scs_entry_jumppad:
0x0: {  	(pc) =	sbr.rel $0x88, $3  }
0x1: {  	(tag) =	ssettag $0x0;
	lr =	simm.s32 $0x1  }
0x2: {  	[smem:$0x3F99] =	sst lr;
	_ =	strace $0xD0000000  }
0x3: {  	_ = 	snop  }
0x4: {  	_ = 	snop  }
0x5: {  	_ = 	snop  }
0x6: {  	_ = 	snop  }
0x7: {  	_ = 	snop  }
__scs_overlays_trampoline_lowered:
0x8: {  	[smem:$0x3FA8] =	sst s0  }
0x9: {  	[smem:$0x3FA9] =	sst s1  }
0xa: {  	[smem:$0x3FAA] =	sst s2  }
0xb: {  	[smem:$0x3FAB] =	sst s3  }
0xc: {  	[smem:$0x3FAC] =	sst s4  }
0xd: {  	[smem:$0x3FAD] =	sst s5  }
0xe: {  	[smem:$0x3FAE] =	sst s6  }
0xf: {  	[smem:$0x3FAF] =	sst s7  }
0x10: {  	[smem:$0x3FB0] =	sst s8  }
0x11: {  	[smem:$0x3FB1] =	sst s9;
	s0 =	simm.s32 @!p0 $0x0  }
0x12: {  	s1 =	sld [smem:$0x3F97];
	s0 =	simm.s32 @p0 $0x1  }
0x13: {  	[smem:$0x3FB2] =	sst s0;
	s0 =	simm.s32 @!p1 $0x0  }
0x14: {  	s2 =	sld [smem:$0x3F96];
	s0 =	simm.s32 @p1 $0x1  }
0x15: {  	[smem:$0x3FB3] =	sst s0;
	s0 =	simm.s32 @!p2 $0x0  }
0x16: {  	s3 =	sld [smem:$0x3FDB];
	s0 =	simm.s32 @p2 $0x1  }
0x17: {  	s4 =	simm.s32 $0x1BF5;
	[smem:$0x3FB5] =	sst s0  }
0x18: {  	s0 =	sld [smem:$0x3F98];
	_ =	swait.ge [sflag:s4], $0x0  }
0x19: {  	s7 =	sld [smem:$0x3F99]  }
0x1a: {  	s8 =	sadd.s32 $0xFFFFE003, lr  }
0x1b: {  	s9 =	sadd.s32 $0xFFFFFEF7, lr;
	s5 =	simm.s32 $0xFFFFFFFF;
	p2 =	slt.u32 s8, $0xFFFFF086  }
0x1c: {  	p1 =	slt.u32 s9, $0xF7A;
	s5 =	simm.s32 @!p2 $0x0  }
0x1d: {  	s5 =	simm.s32 @p1 $0x1;
	p0 =	seq.s32 s7, s2  }
0x1e: {  	s7 =	smul.u32 @!p0 $0xF7A, s2;
	p2 =	seq.s32 @!p0 s5, $0x0  }
0x1f: {  	s9 =	smul.u32 $0xF7A, s1;
	s8 =	simm.s32 @!p0 $0x1BF5;
	p2 =	por !p2, p0  }
0x20: {  	[sflag:s8] =	ssyncset.s32 @!p0 $0xFFFFF086;
	s6 =	sadd.s32 @!p0 s3, s7;
	s7 =	simm.s32 @!p0 $0x108  }
0x21: {  	s3 =	sadd.s32 s3, s9;
	s6 =	sadd.s32 @!p0 $0x88, s6;
	s7 =	simm.s32 @p2 $0x1082  }
0x22: {  	[simem:s7], [sflag:s8] =	dma.local @!p0 [hbm:s6], $0xF7A  }
0x23: {  	s9 =	sor.u32 $0xD0000000, s2;
	s6 =	simm.s32 $0x108;
	_ =	swait.ge @!p0 [sflag:s8], $0x0  }
0x24: {  	s3 =	sadd.s32 $0x88, s3;
	s6 =	simm.s32 @!p1 $0x1082;
	[sflag:s4] =	ssyncset.s32 $0xFFFFF086  }
0x25: {  	[simem:s6], [sflag:s4] =	dma.local [hbm:s3], $0xF7A  }
0x26: {  	[smem:$0x3F99] =	sst s1;
	(tag) =	ssettag s2;
	_ =	strace s9  }
0x27: {  	s1 =	sld [smem:$0x3FA9]  }
0x28: {  	s2 =	sld [smem:$0x3FAA]  }
0x29: {  	s4 =	sld [smem:$0x3FAC]  }
0x2a: {  	p0 =	seq.s32 s5, $0x0;
	s5 =	sld [smem:$0x3FAD]  }
0x2b: {  	s6 =	sld [smem:$0x3FAE]  }
0x2c: {  	s7 =	sld [smem:$0x3FAF]  }
0x2d: {  	s3 =	simm.s32 $0x108;
	s8 =	sld [smem:$0x3FB0]  }
0x2e: {  	s3 =	simm.s32 @!p0 $0x1082;
	s9 =	sld [smem:$0x3FB1]  }
0x2f: {  	lr =	sadd.s32 s0, s3;
	s0 =	sld [smem:$0x3FA8]  }
0x30: {  	s3 =	sld [smem:$0x3FAB]  }
0x31: {  	[smem:$0x3FB4] =	sst s10  }
0x32: {  	s10 =	sld [smem:$0x3FB2];
	_ =	sdelay $0x3  }
0x33: {  	p0 =	seq.s32 s10, $0x1;
	s10 =	sld [smem:$0x3FB4];
	_ =	sdelay $0x3  }
0x34: {  	[smem:$0x3FB4] =	sst s10  }
0x35: {  	s10 =	sld [smem:$0x3FB3];
	_ =	sdelay $0x3  }
0x36: {  	p1 =	seq.s32 s10, $0x1;
	s10 =	sld [smem:$0x3FB4];
	_ =	sdelay $0x3  }
0x37: {  	[smem:$0x3FB4] =	sst s10  }
0x38: {  	s10 =	sld [smem:$0x3FB5]  }
0x39: {  	_ = 	snop;
	(pc) =	sbr.ind lr, $3  }
0x3a: {  	_ = 	snop  }
0x3b: {  	_ = 	snop  }
0x3c: {  	p2 =	seq.s32 s10, $0x1;
	s10 =	sld [smem:$0x3FB4]  }
0x3d: {  	_ =	shalt  }
0x3e: {  	_ =	shalt  }
0x3f: {  	_ =	shalt  }
0x40: {  	_ =	shalt  }
0x41: {  	_ =	shalt  }
0x42: {  	_ =	shalt  }
0x43: {  	_ =	shalt  }
0x44: {  	_ =	shalt  }
0x45: {  	_ =	shalt  }
0x46: {  	_ =	shalt  }
0x47: {  	_ =	shalt  }
0x48: {  	_ =	shalt  }
0x49: {  	_ =	shalt  }
0x4a: {  	_ =	shalt  }
0x4b: {  	_ =	shalt  }
0x4c: {  	_ =	shalt  }
0x4d: {  	_ =	shalt  }
0x4e: {  	_ =	shalt  }
0x4f: {  	_ =	shalt  }
0x50: {  	_ =	shalt  }
0x51: {  	_ =	shalt  }
0x52: {  	_ =	shalt  }
0x53: {  	_ =	shalt  }
0x54: {  	_ =	shalt  }
0x55: {  	_ =	shalt  }
0x56: {  	_ =	shalt  }
0x57: {  	_ =	shalt  }
0x58: {  	_ =	shalt  }
0x59: {  	_ =	shalt  }
0x5a: {  	_ =	shalt  }
0x5b: {  	_ =	shalt  }
0x5c: {  	_ =	shalt  }
0x5d: {  	_ =	shalt  }
0x5e: {  	_ =	shalt  }
0x5f: {  	_ =	shalt  }
0x60: {  	_ =	shalt  }
0x61: {  	_ =	shalt  }
0x62: {  	_ =	shalt  }
0x63: {  	_ =	shalt  }
0x64: {  	_ =	shalt  }
0x65: {  	_ =	shalt  }
0x66: {  	_ =	shalt  }
0x67: {  	_ =	shalt  }
0x68: {  	_ =	shalt  }
0x69: {  	_ =	shalt  }
0x6a: {  	_ =	shalt  }
0x6b: {  	_ =	shalt  }
0x6c: {  	_ =	shalt  }
0x6d: {  	_ =	shalt  }
0x6e: {  	_ =	shalt  }
0x6f: {  	_ =	shalt  }
0x70: {  	_ =	shalt  }
0x71: {  	_ =	shalt  }
0x72: {  	_ =	shalt  }
0x73: {  	_ =	shalt  }
0x74: {  	_ =	shalt  }
0x75: {  	_ =	shalt  }
0x76: {  	_ =	shalt  }
0x77: {  	_ =	shalt  }
0x78: {  	_ =	shalt  }
0x79: {  	_ =	shalt  }
0x7a: {  	_ =	shalt  }
0x7b: {  	_ =	shalt  }
0x7c: {  	_ =	shalt  }
0x7d: {  	_ =	shalt  }
0x7e: {  	_ =	shalt  }
0x7f: {  	_ =	shalt  }
0x80: {  	_ =	shalt  }
0x81: {  	_ =	shalt  }
0x82: {  	_ =	shalt  }
0x83: {  	_ =	shalt  }
0x84: {  	_ =	shalt  }
0x85: {  	_ =	shalt  }
0x86: {  	_ =	shalt  }
0x87: {  	_ =	shalt  }
.Lfunc_end0:
.L_simem_size_0:
called_computation.1_lowered:
.L_overlay_start_0:
0x88: {  	s2 =	sld [smem:$0x3FD9]  }
0x89: {  	s3 =	sld [smem:$0x3FFE];
	_ =	sdelay $0x1  }
0x8a: {  	s1 =	srdreg.scid  }
0x8b: {  	s0 =	sand.u32 $0x1, s1  }
0x8c: {  	s17 =	sshll.u32 s0, $0xA;
	s2 =	sadd.s32 s3, s2  }
0x8d: {  	s2 =	sadd.s32 s2, s17  }
0x8e: {  	[smem:$0x3FC0] =	sst s2  }
0x8f: {  	_ = 	snop  }
0x90: {  	s2 =	sld [smem:$0x3FD0];
	(tm) =	ssettm $0x1  }
0x91: {  	s18 =	sld [smem:$0x3FFB];
	_ =	sdelay $0x3  }
0x92: {  	_ =	strace s18  }
0x93: {  	s3 =	sld [smem:$0x3FFC];
	_ =	sdelay $0x3  }
0x94: {  	_ =	strace s3  }
0x95: {  	s3 =	sld [smem:$0x3FFD];
	_ =	sdelay $0x3  }
0x96: {  	_ =	strace s3  }
0x97: {  	_ =	strace $0x8FFFFFFF  }
0x98: {  	s19 =	sld [smem:$0x3FDB];
	_ =	sdelay $0x1  }
0x99: {  	s4 =	simm.s32 $_scs_section_size  }
0x9a: {  	s5 =	simm.s32 $_size__tile_overlayer_lowered;
	s6 =	simm.s32 $_tile_overlayer_lowered  }
0x9b: {  	s22 =	simm.s32 $0x1BFF;
	s21 =	sshll.u32 s6, $0x1;
	s3 =	sadd.s32 s4, s19  }
0x9c: {  	s7 =	simm.s32 $0x0;
	s20 =	sshll.u32 s5, $0x1;
	s5 =	sadd.s32 s21, s3  }
0x9d: {  	[timem:s7], [sflag:s22] =	dma.local [hbm:s5], s20  }
0x9e: {  	_ =	swait.ge [sflag:s22], s20  }
0x9f: {  	s4 =	ssub.s32 $0x0, s20;
	[sflag:s22] =	ssyncset.done $0x0  }
0xa0: {  	[sflag:s22] =	ssyncadd.s32 s4;
	_ =	sdelay $0x1  }
0xa1: {  	s23 =	simm.s32 $0x1B8B  }
0xa2: {  	_ =	swait.ge [sflag:s23], $0x1  }
0xa3: {  	[sflag:s23] =	ssyncset.done $0x0  }
0xa4: {  	s25 =	simm.s32 $0x1B8E;
	s24 =	sld [smem:$0x3FFE];
	[sflag:s23] =	ssyncadd.s32 $0xFFFFFFFF  }
0xa5: {  	s26 =	simm.s32 $execute0_lowered;
	[smem:$0x3FD2] =	sst s25  }
0xa6: {  	s5 =	sshll.u32 s26, $0x1;
	_ =	strace $0x80000049;
	[dreg:$0x1] =	wrdreg $0xFFFFFFFF  }
0xa7: {  	s28 =	simm.s32 $_size_execute0_lowered;
	s3 =	sadd.s32 s3, s5;
	[dreg:$0x0] =	wrdreg $0x0  }
0xa8: {  	s5 =	sshll.u32 s28, $0x1;
	[dreg:$0x2] =	wrdreg s3  }
0xa9: {  	[dreg:$0x3] =	wrdreg s5  }
0xaa: {  	[dreg:$0x4] =	wrdreg $0xC0  }
0xab: {  	_ =	task [dreg:s7], $0x5FFFF  }
0xac: {  	[dreg:$0x1] =	wrdreg $0xFFFFFFFF  }
0xad: {  	[dreg:$0x0] =	wrdreg $0x60  }
0xae: {  	[dreg:$0x2] =	wrdreg s2  }
0xaf: {  	[dreg:$0x3] =	wrdreg s24  }
0xb0: {  	[dreg:$0x4] =	wrdreg $0x90000  }
0xb1: {  	[dreg:$0x5] =	wrdreg $0x9  }
0xb2: {  	_ =	task.clear_ibuf [dreg:s7], $0x6FFFF;
	_ =	strace $0x90000049  }
0xb3: {  	s29 =	simm.s32 $0x9;
	_ =	strace $0x8000004B  }
0xb4: {  	_ =	swait.ge [sflag:s29], $0x1  }
0xb5: {  	[sflag:s29] =	ssyncadd.s32 $0xFFFFFFFF  }
0xb6: {  	_ =	strace $0x9000004B  }
0xb7: {  	_ =	sfence  }
0xb8: {  	s30 =	sld [smem:$0x0];
	_ =	sdelay $0x2  }
0xb9: {  	s31 =	sshll.u32 s1, $0xD;
	s1 =	sshrl.u32 s1, $0x2  }
0xba: {  	s3 =	sand.u32 $0x4000, s31;
	s1 =	sadd.s32 s1, s30  }
0xbb: {  	s0 =	sor.u32 s3, s0;
	s1 =	sshll.u32 s1, $0x11  }
0xbc: {  	s0 =	sor.u32 s1, s0  }
0xbd: {  	s0 =	sadd.s32 $0x8F2B, s0  }
0xbe: {  	[sflag:s0] =	ssyncadd.remote.s32 $0x1  }
0xbf: {  	_ =	sfence.sel $0xFFFF  }
0xc0: {  	[dreg:$0x0] =	wrdreg $0xFFFFFFFF;
	(pc) =	sbr.abs _section_cstart, $3  }
0xc1: {  	[dreg:$0x1] =	wrdreg $0xFFFFFFFF  }
0xc2: {  	_ =	task.clear_ibuf [dreg:s7], $0x2FFFF;
	_ =	strace $0x9FFFFFFF  }
0xc3: {  	(tm) =	ssettm $0x7FFFFFFF  }
tec
execute0_lowered:
.L_overlay_start_1:
0x0: {  	(tag) =	ssettag $0x1  }
0x1: {  	s1 =	rddreg [dreg:$0x0]  }
0x2: {  	s0 =	srdreg.scid;
	s6 =	rddreg [dreg:$0x1]  }
0x3: {  	s3 =	rddreg [dreg:$0x2];
	s5 =	sand.u32 $0x1, s0;
	s0 =	stileid.u32  }
0x4: {  	s4 =	simm.s32 $0x0;
	s14 =	simm.s32 $0x5000;
	s16 =	smul.u32 $0x2800, s0  }
0x5: {  	s15 =	simm.s32 $0x1;
	[smem:$0x7FF] =	sst s4;
	s8 =	smul.u32 $0x28000, s5  }
0x6: {  	s2 =	sshll.u32 s5, $0x4;
	s5 =	ssub.s32 $0x2, s5;
	s28 =	smul.u32 $0x50000, s0  }
0x7: {  	s31 =	sshll.u32 s0, $0x6;
	s7 =	sor.u32 s0, s2;
	s2 =	rddreg [dreg:$0x3]  }
0x8: {  	_ =	strace $0x8000004A;
	s29 =	sshrl.u32 s5, $0x1;
	s7 =	smul.u32 $0x500, s7  }
0x9: {  	s10 =	sadd.s32 s16, s6;
	s11 =	sadd.s32 s8, s6;
	s30 =	sshrl.u32 s28, $0x2  }
0xa: {  	s12 =	ssub.s32 s5, s29;
	s13 =	sadd.s32 s30, s3;
	s5 =	sadd.s32 $0x16600, s10  }
0xb: {  	s17 =	sadd.s32 $0x3E600, s11;
	s11 =	simm.s32 $0x2;
	s9 =	sadd.s32 s7, s6  }
0xc: {  	s6 =	sor.u32 $0x1C02, s31;
	s10 =	sshrl.u32 s13, $0x3;
	s13 =	simm.s32 $0x80  }
0xd: {  	s16 =	sadd.s32 s16, s17;
	s17 =	simm.s32 $0x0;
	s7 =	sadd.s32 $0x2000, s9  }
0xe: {  	s8 =	sadd.s32 $0xC000, s9;
	s9 =	smax.u32 s12, $0x1;
	s12 =	simm.s32 $0x2800  }
.LBB2_1:
0xf: {  	[spmem:s10], [sflag:s6] =	dma.local [hbm:s5], $0x2800  }
0x10: {  	_ =	swait.ge [sflag:s11], $0x2800  }
0x11: {  	[sflag:s11] =	ssyncset.done $0x0  }
0x12: {  	[sflag:s11] =	ssyncadd.s32 $0xFFFFD800  }
0x13: {  	[tilespmem:s4], [sflag:$0x2] =	stream.linear.gather [hbm4b:s7+s4], $0x2800, $0x38;
	[tilespmem:$0x1D000] =	vst v63  }
0x14: {  	_ =	swait.ge [sflag:s11], $0x2800  }
0x15: {  	[sflag:s11] =	ssyncset.done $0x0  }
0x16: {  	[sflag:s11] =	ssyncadd.s32 $0xFFFFD800  }
0x17: {  	[bflag:$0x0] =	sbarrier.arrive $0xFFFF  }
0x18: {  	[tilespmem:s12], [sflag:$0x2] =	stream.linear.gather [hbm4b:s8+s4], $0x2800, $0x38;
	[tilespmem:$0x1D000] =	vst v63  }
0x19: {  	_ =	swait.ge [sflag:s11], $0x2800  }
0x1a: {  	[sflag:s11] =	ssyncset.done $0x0  }
0x1b: {  	s18 =	simm.s32 $0x0;
	[sflag:s11] =	ssyncadd.s32 $0xFFFFD800  }
0x1c: {  	[tilespmem:s14], [sflag:$0x1] =	stream.indirect.gather [hbm4b:s1+s13], $0x80, s18, s13, $0xb8;
	[tilespmem:$0x1D000] =	vst v63  }
0x1d: {  	_ =	swait.ge [sflag:s15], $0x4000  }
0x1e: {  	[sflag:s15] =	ssyncset.done $0x0  }
0x1f: {  	s31 =	simm.s32 $0x2800;
	[sflag:s15] =	ssyncadd.s32 $0xFFFFC000  }
0x20: {  	[spmem:s3] =	stream.indirect.scatter.add.f32 [tilespmem:s14], [sflag:$0x2], $0x80, s31, s13, $0xb8;
	[tilespmem:$0x1D000] =	vst v63  }
0x21: {  	_ =	swait.ge [sflag:s11], $0x4000  }
0x22: {  	s19 =	simm.s32 $0x400;
	s18 =	simm.s32 $0x200;
	[sflag:s11] =	ssyncset.done $0x0  }
.LBB2_2:
0x23: {  	s20 =	sshra.s32 s18, $0x2  }
0x24: {  	[sflag:s11] =	ssyncadd.s32 $0xFFFFC000;
	s18 =	smov.u32 s19;
	s21 =	sadd.s32 $0x200, s19  }
0x25: {  	[tilespmem:s14], [sflag:$0x1] =	stream.indirect.gather [hbm4b:s1+s13], $0x80, s20, s13, $0xb8;
	[tilespmem:$0x1D000] =	vst v63  }
0x26: {  	p0 =	sne.s32 s19, $0x9E00;
	_ =	swait.ge [sflag:s15], $0x4000  }
.Ltmp0:
0x27: {  	[sflag:s15] =	ssyncset.done $0x0;
	(pc) =	sbr.rel @p0 .LBB2_2-.Ltmp0, $4  }
0x28: {  	s19 =	sadd.s32 $0x2800, s20;
	[sflag:s15] =	ssyncadd.s32 $0xFFFFC000  }
0x29: {  	[spmem:s3] =	stream.indirect.scatter.add.f32 [tilespmem:s14], [sflag:$0x2], $0x80, s19, s13, $0xb8;
	[tilespmem:$0x1D000] =	vst v63  }
0x2a: {  	_ =	swait.ge [sflag:s11], $0x4000  }
0x2b: {  	s19 =	smov.u32 s21;
	[sflag:s11] =	ssyncset.done $0x0  }
0x2c: {  	s18 =	sshra.s32 s18, $0x2;
	[sflag:s11] =	ssyncadd.s32 $0xFFFFC000  }
0x2d: {  	[tilespmem:s14], [sflag:$0x1] =	stream.indirect.gather [hbm4b:s1+s13], $0x80, s18, s13, $0xb8;
	[tilespmem:$0x1D000] =	vst v63  }
0x2e: {  	_ =	swait.ge [sflag:s15], $0x4000  }
0x2f: {  	[sflag:s15] =	ssyncset.done $0x0  }
0x30: {  	s18 =	sadd.s32 $0x2800, s18;
	[sflag:s15] =	ssyncadd.s32 $0xFFFFC000  }
0x31: {  	[spmem:s3] =	stream.indirect.scatter.add.f32 [tilespmem:s14], [sflag:$0x2], $0x80, s18, s13, $0xb8;
	[tilespmem:$0x1D000] =	vst v63  }
0x32: {  	_ =	swait.ge [sflag:s11], $0x4000  }
0x33: {  	s17 =	sadd.s32 $0x1, s17;
	[sflag:s11] =	ssyncset.done $0x0  }
0x34: {  	p0 =	sne.s32 s17, s9;
	[sflag:s11] =	ssyncadd.s32 $0xFFFFC000  }
.Ltmp1:
0x35: {  	[bflag:$0x0] =	sbarrier.arrive $0xFFFF;
	(pc) =	sbr.rel @p0 .LBB2_1-.Ltmp1, $4  }
0x36: {  	[hbm:s16], [sflag:s6] =	dma.local [spmem:s10], $0x2800  }
0x37: {  	_ =	swait.ge [sflag:s11], $0x2800  }
0x38: {  	[sflag:s11] =	ssyncset.done $0x0  }
0x39: {  	[sflag:s11] =	ssyncadd.s32 $0xFFFFD800  }
0x3a: {  	_ =	sfence.sel $0x180000  }
0x3b: {  	[bflag:$0x0] =	sbarrier.arrive $0xFFFF  }
0x3c: {  	p0 =	sne.s32 s0, $0x0;
	_ =	strace $0x9000004A  }
0x3d: {  	s0 =	sadd.s32 @!p0 $0x100000, s2;
	[bflag:$0x2] =	sbarrier.arrive $0xFFFF  }
0x3e: {  	[sflag:s0] =	ssyncadd.tile.s32 @!p0 $0x1;
	_ =	shalt  }
.Lfunc_end2:
_tile_overlayer_lowered:
.L_overlay_start_2:
0x3f: {  	(tag) =	ssettag $0x2  }
0x40: {  	s0 =	rddreg [dreg:$0x0];
	s2 =	stileid.u32  }
0x41: {  	s1 =	rddreg [dreg:$0x1];
	p0 =	sne.s32 s2, $0x0  }
0x42: {  	s3 =	rddreg [dreg:$0x2];
	[bflag:$0x3] =	sbarrier.arrive $0xFFFF;
	s2 =	simm.s32 @!p0 $0x1C02  }
0x43: {  	[timem:s3], [sflag:s2] =	dma.local @!p0 [hbm:s0], s1  }
0x44: {  	s0 =	simm.s32 @!p0 $0x2  }
0x45: {  	_ =	swait.ge @!p0 [sflag:s0], s1  }
0x46: {  	s1 =	ssub.s32 @!p0 $0x0, s1;
	[sflag:s0] =	ssyncset.done @!p0 $0x0  }
0x47: {  	[sflag:s0] =	ssyncadd.s32 @!p0 s1  }
0x48: {  	[bflag:$0x3] =	sbarrier.arrive $0xFFFF  }
0x49: {  	_ =	shalt  }

// kernel: sc_segsum_deg.3.cloned.1.call-start
scs
__scs_entry_jumppad:
0x0: {  	(pc) =	sbr.rel $0x88, $3  }
0x1: {  	(tag) =	ssettag $0x0;
	lr =	simm.s32 $0x1  }
0x2: {  	[smem:$0x3F99] =	sst lr;
	_ =	strace $0xD0000000  }
0x3: {  	_ = 	snop  }
0x4: {  	_ = 	snop  }
0x5: {  	_ = 	snop  }
0x6: {  	_ = 	snop  }
0x7: {  	_ = 	snop  }
__scs_overlays_trampoline_lowered:
0x8: {  	[smem:$0x3FA8] =	sst s0  }
0x9: {  	[smem:$0x3FA9] =	sst s1  }
0xa: {  	[smem:$0x3FAA] =	sst s2  }
0xb: {  	[smem:$0x3FAB] =	sst s3  }
0xc: {  	[smem:$0x3FAC] =	sst s4  }
0xd: {  	[smem:$0x3FAD] =	sst s5  }
0xe: {  	[smem:$0x3FAE] =	sst s6  }
0xf: {  	[smem:$0x3FAF] =	sst s7  }
0x10: {  	[smem:$0x3FB0] =	sst s8  }
0x11: {  	[smem:$0x3FB1] =	sst s9;
	s0 =	simm.s32 @!p0 $0x0  }
0x12: {  	s1 =	sld [smem:$0x3F97];
	s0 =	simm.s32 @p0 $0x1  }
0x13: {  	[smem:$0x3FB2] =	sst s0;
	s0 =	simm.s32 @!p1 $0x0  }
0x14: {  	s2 =	sld [smem:$0x3F96];
	s0 =	simm.s32 @p1 $0x1  }
0x15: {  	[smem:$0x3FB3] =	sst s0;
	s0 =	simm.s32 @!p2 $0x0  }
0x16: {  	s3 =	sld [smem:$0x3FDB];
	s0 =	simm.s32 @p2 $0x1  }
0x17: {  	s4 =	simm.s32 $0x1BF5;
	[smem:$0x3FB5] =	sst s0  }
0x18: {  	s0 =	sld [smem:$0x3F98];
	_ =	swait.ge [sflag:s4], $0x0  }
0x19: {  	s7 =	sld [smem:$0x3F99]  }
0x1a: {  	s8 =	sadd.s32 $0xFFFFE003, lr  }
0x1b: {  	s9 =	sadd.s32 $0xFFFFFEF7, lr;
	s5 =	simm.s32 $0xFFFFFFFF;
	p2 =	slt.u32 s8, $0xFFFFF086  }
0x1c: {  	p1 =	slt.u32 s9, $0xF7A;
	s5 =	simm.s32 @!p2 $0x0  }
0x1d: {  	s5 =	simm.s32 @p1 $0x1;
	p0 =	seq.s32 s7, s2  }
0x1e: {  	s7 =	smul.u32 @!p0 $0xF7A, s2;
	p2 =	seq.s32 @!p0 s5, $0x0  }
0x1f: {  	s9 =	smul.u32 $0xF7A, s1;
	s8 =	simm.s32 @!p0 $0x1BF5;
	p2 =	por !p2, p0  }
0x20: {  	[sflag:s8] =	ssyncset.s32 @!p0 $0xFFFFF086;
	s6 =	sadd.s32 @!p0 s3, s7;
	s7 =	simm.s32 @!p0 $0x108  }
0x21: {  	s3 =	sadd.s32 s3, s9;
	s6 =	sadd.s32 @!p0 $0x88, s6;
	s7 =	simm.s32 @p2 $0x1082  }
0x22: {  	[simem:s7], [sflag:s8] =	dma.local @!p0 [hbm:s6], $0xF7A  }
0x23: {  	s9 =	sor.u32 $0xD0000000, s2;
	s6 =	simm.s32 $0x108;
	_ =	swait.ge @!p0 [sflag:s8], $0x0  }
0x24: {  	s3 =	sadd.s32 $0x88, s3;
	s6 =	simm.s32 @!p1 $0x1082;
	[sflag:s4] =	ssyncset.s32 $0xFFFFF086  }
0x25: {  	[simem:s6], [sflag:s4] =	dma.local [hbm:s3], $0xF7A  }
0x26: {  	[smem:$0x3F99] =	sst s1;
	(tag) =	ssettag s2;
	_ =	strace s9  }
0x27: {  	s1 =	sld [smem:$0x3FA9]  }
0x28: {  	s2 =	sld [smem:$0x3FAA]  }
0x29: {  	s4 =	sld [smem:$0x3FAC]  }
0x2a: {  	p0 =	seq.s32 s5, $0x0;
	s5 =	sld [smem:$0x3FAD]  }
0x2b: {  	s6 =	sld [smem:$0x3FAE]  }
0x2c: {  	s7 =	sld [smem:$0x3FAF]  }
0x2d: {  	s3 =	simm.s32 $0x108;
	s8 =	sld [smem:$0x3FB0]  }
0x2e: {  	s3 =	simm.s32 @!p0 $0x1082;
	s9 =	sld [smem:$0x3FB1]  }
0x2f: {  	lr =	sadd.s32 s0, s3;
	s0 =	sld [smem:$0x3FA8]  }
0x30: {  	s3 =	sld [smem:$0x3FAB]  }
0x31: {  	[smem:$0x3FB4] =	sst s10  }
0x32: {  	s10 =	sld [smem:$0x3FB2];
	_ =	sdelay $0x3  }
0x33: {  	p0 =	seq.s32 s10, $0x1;
	s10 =	sld [smem:$0x3FB4];
	_ =	sdelay $0x3  }
0x34: {  	[smem:$0x3FB4] =	sst s10  }
0x35: {  	s10 =	sld [smem:$0x3FB3];
	_ =	sdelay $0x3  }
0x36: {  	p1 =	seq.s32 s10, $0x1;
	s10 =	sld [smem:$0x3FB4];
	_ =	sdelay $0x3  }
0x37: {  	[smem:$0x3FB4] =	sst s10  }
0x38: {  	s10 =	sld [smem:$0x3FB5]  }
0x39: {  	_ = 	snop;
	(pc) =	sbr.ind lr, $3  }
0x3a: {  	_ = 	snop  }
0x3b: {  	_ = 	snop  }
0x3c: {  	p2 =	seq.s32 s10, $0x1;
	s10 =	sld [smem:$0x3FB4]  }
0x3d: {  	_ =	shalt  }
0x3e: {  	_ =	shalt  }
0x3f: {  	_ =	shalt  }
0x40: {  	_ =	shalt  }
0x41: {  	_ =	shalt  }
0x42: {  	_ =	shalt  }
0x43: {  	_ =	shalt  }
0x44: {  	_ =	shalt  }
0x45: {  	_ =	shalt  }
0x46: {  	_ =	shalt  }
0x47: {  	_ =	shalt  }
0x48: {  	_ =	shalt  }
0x49: {  	_ =	shalt  }
0x4a: {  	_ =	shalt  }
0x4b: {  	_ =	shalt  }
0x4c: {  	_ =	shalt  }
0x4d: {  	_ =	shalt  }
0x4e: {  	_ =	shalt  }
0x4f: {  	_ =	shalt  }
0x50: {  	_ =	shalt  }
0x51: {  	_ =	shalt  }
0x52: {  	_ =	shalt  }
0x53: {  	_ =	shalt  }
0x54: {  	_ =	shalt  }
0x55: {  	_ =	shalt  }
0x56: {  	_ =	shalt  }
0x57: {  	_ =	shalt  }
0x58: {  	_ =	shalt  }
0x59: {  	_ =	shalt  }
0x5a: {  	_ =	shalt  }
0x5b: {  	_ =	shalt  }
0x5c: {  	_ =	shalt  }
0x5d: {  	_ =	shalt  }
0x5e: {  	_ =	shalt  }
0x5f: {  	_ =	shalt  }
0x60: {  	_ =	shalt  }
0x61: {  	_ =	shalt  }
0x62: {  	_ =	shalt  }
0x63: {  	_ =	shalt  }
0x64: {  	_ =	shalt  }
0x65: {  	_ =	shalt  }
0x66: {  	_ =	shalt  }
0x67: {  	_ =	shalt  }
0x68: {  	_ =	shalt  }
0x69: {  	_ =	shalt  }
0x6a: {  	_ =	shalt  }
0x6b: {  	_ =	shalt  }
0x6c: {  	_ =	shalt  }
0x6d: {  	_ =	shalt  }
0x6e: {  	_ =	shalt  }
0x6f: {  	_ =	shalt  }
0x70: {  	_ =	shalt  }
0x71: {  	_ =	shalt  }
0x72: {  	_ =	shalt  }
0x73: {  	_ =	shalt  }
0x74: {  	_ =	shalt  }
0x75: {  	_ =	shalt  }
0x76: {  	_ =	shalt  }
0x77: {  	_ =	shalt  }
0x78: {  	_ =	shalt  }
0x79: {  	_ =	shalt  }
0x7a: {  	_ =	shalt  }
0x7b: {  	_ =	shalt  }
0x7c: {  	_ =	shalt  }
0x7d: {  	_ =	shalt  }
0x7e: {  	_ =	shalt  }
0x7f: {  	_ =	shalt  }
0x80: {  	_ =	shalt  }
0x81: {  	_ =	shalt  }
0x82: {  	_ =	shalt  }
0x83: {  	_ =	shalt  }
0x84: {  	_ =	shalt  }
0x85: {  	_ =	shalt  }
0x86: {  	_ =	shalt  }
0x87: {  	_ =	shalt  }
.Lfunc_end0:
.L_simem_size_0:
called_computation_lowered:
.L_overlay_start_0:
0x88: {  	s2 =	sld [smem:$0x3FD9]  }
0x89: {  	s3 =	sld [smem:$0x3FFE];
	_ =	sdelay $0x1  }
0x8a: {  	s1 =	srdreg.scid  }
0x8b: {  	s0 =	sand.u32 $0x1, s1  }
0x8c: {  	s17 =	sshll.u32 s0, $0xA;
	s2 =	sadd.s32 s3, s2  }
0x8d: {  	s2 =	sadd.s32 s2, s17  }
0x8e: {  	[smem:$0x3FC0] =	sst s2  }
0x8f: {  	_ = 	snop  }
0x90: {  	s2 =	sld [smem:$0x3FC9]  }
0x91: {  	s18 =	sld [smem:$0x3FD0];
	(tm) =	ssettm $0x1  }
0x92: {  	s4 =	sld [smem:$0x3FFB];
	_ =	sdelay $0x3  }
0x93: {  	_ =	strace s4  }
0x94: {  	s4 =	sld [smem:$0x3FFC];
	_ =	sdelay $0x3  }
0x95: {  	_ =	strace s4  }
0x96: {  	s4 =	sld [smem:$0x3FFD];
	_ =	sdelay $0x3  }
0x97: {  	_ =	strace s4  }
0x98: {  	_ =	strace $0x8FFFFFFF  }
0x99: {  	s19 =	sld [smem:$0x3FDB];
	_ =	sdelay $0x1  }
0x9a: {  	s5 =	simm.s32 $_scs_section_size  }
0x9b: {  	s6 =	simm.s32 $_size__tile_overlayer_lowered;
	s7 =	simm.s32 $_tile_overlayer_lowered  }
0x9c: {  	s22 =	simm.s32 $0x1BFF;
	s21 =	sshll.u32 s7, $0x1;
	s4 =	sadd.s32 s5, s19  }
0x9d: {  	s8 =	simm.s32 $0x0;
	s20 =	sshll.u32 s6, $0x1;
	s6 =	sadd.s32 s21, s4  }
0x9e: {  	[timem:s8], [sflag:s22] =	dma.local [hbm:s6], s20  }
0x9f: {  	_ =	swait.ge [sflag:s22], s20  }
0xa0: {  	s5 =	ssub.s32 $0x0, s20;
	[sflag:s22] =	ssyncset.done $0x0  }
0xa1: {  	[sflag:s22] =	ssyncadd.s32 s5;
	_ =	sdelay $0x1  }
0xa2: {  	s23 =	simm.s32 $0x1B8B  }
0xa3: {  	_ =	swait.ge [sflag:s23], $0x1  }
0xa4: {  	[sflag:s23] =	ssyncset.done $0x0  }
0xa5: {  	s25 =	simm.s32 $0x1B8E;
	s24 =	sld [smem:$0x3FFE];
	[sflag:s23] =	ssyncadd.s32 $0xFFFFFFFF  }
0xa6: {  	s26 =	simm.s32 $execute0_lowered;
	[smem:$0x3FD2] =	sst s25  }
0xa7: {  	s6 =	sshll.u32 s26, $0x1;
	_ =	strace $0x80000046;
	[dreg:$0x1] =	wrdreg $0xFFFFFFFF  }
0xa8: {  	s28 =	simm.s32 $_size_execute0_lowered;
	s4 =	sadd.s32 s4, s6;
	[dreg:$0x0] =	wrdreg $0x0  }
0xa9: {  	s6 =	sshll.u32 s28, $0x1;
	[dreg:$0x2] =	wrdreg s4  }
0xaa: {  	[dreg:$0x3] =	wrdreg s6  }
0xab: {  	[dreg:$0x4] =	wrdreg $0xC0  }
0xac: {  	_ =	task [dreg:s8], $0x5FFFF  }
0xad: {  	[dreg:$0x1] =	wrdreg $0xFFFFFFFF  }
0xae: {  	[dreg:$0x0] =	wrdreg $0x60  }
0xaf: {  	[dreg:$0x2] =	wrdreg s2  }
0xb0: {  	[dreg:$0x3] =	wrdreg s24  }
0xb1: {  	[dreg:$0x4] =	wrdreg s18  }
0xb2: {  	[dreg:$0x5] =	wrdreg $0x90800  }
0xb3: {  	[dreg:$0x6] =	wrdreg $0x1D0800  }
0xb4: {  	[dreg:$0x7] =	wrdreg $0x9  }
0xb5: {  	_ =	task.clear_ibuf [dreg:s8], $0x8FFFF;
	_ =	strace $0x90000046  }
0xb6: {  	s29 =	simm.s32 $0x9;
	_ =	strace $0x80000048  }
0xb7: {  	_ =	swait.ge [sflag:s29], $0x1  }
0xb8: {  	[sflag:s29] =	ssyncadd.s32 $0xFFFFFFFF  }
0xb9: {  	_ =	strace $0x90000048  }
0xba: {  	_ =	sfence  }
0xbb: {  	s30 =	sld [smem:$0x0];
	_ =	sdelay $0x2  }
0xbc: {  	s31 =	sshll.u32 s1, $0xD;
	s1 =	sshrl.u32 s1, $0x2  }
0xbd: {  	s3 =	sand.u32 $0x4000, s31;
	s1 =	sadd.s32 s1, s30  }
0xbe: {  	s0 =	sor.u32 s3, s0;
	s1 =	sshll.u32 s1, $0x11  }
0xbf: {  	s0 =	sor.u32 s1, s0  }
0xc0: {  	s0 =	sadd.s32 $0x8F2B, s0  }
0xc1: {  	[sflag:s0] =	ssyncadd.remote.s32 $0x1  }
0xc2: {  	_ =	sfence.sel $0xFFFF  }
0xc3: {  	[dreg:$0x0] =	wrdreg $0xFFFFFFFF;
	(pc) =	sbr.abs _section_cstart, $3  }
0xc4: {  	[dreg:$0x1] =	wrdreg $0xFFFFFFFF  }
0xc5: {  	_ =	task.clear_ibuf [dreg:s8], $0x2FFFF;
	_ =	strace $0x9FFFFFFF  }
0xc6: {  	(tm) =	ssettm $0x7FFFFFFF  }
0xc7: {  	_ =	shalt  }
tec
execute0_lowered:
.L_overlay_start_1:
0x0: {  	(tag) =	ssettag $0x1  }
0x1: {  	s0 =	rddreg [dreg:$0x0]  }
0x2: {  	s6 =	rddreg [dreg:$0x1]  }
0x3: {  	s11 =	rddreg [dreg:$0x2]  }
0x4: {  	s1 =	srdreg.scid;
	s3 =	rddreg [dreg:$0x3]  }
0x5: {  	s4 =	rddreg [dreg:$0x4];
	s7 =	sand.u32 $0x1, s1;
	s1 =	stileid.u32  }
0x6: {  	s2 =	rddreg [dreg:$0x5];
	s5 =	simm.s32 $0x0;
	s20 =	smul.u32 $0x2800, s1  }
0x7: {  	s18 =	simm.s32 $0x1;
	s19 =	simm.s32 $0x9000;
	s9 =	smul.u32 $0x280, s1  }
0x8: {  	s24 =	simm.s32 $0x0;
	[smem:$0x7FF] =	sst s5;
	s13 =	smul.u32 $0x28000, s7  }
0x9: {  	s12 =	sshll.u32 s7, $0x4;
	_ =	strace $0x80000047;
	s15 =	smul.u32 $0x50000, s1  }
0xa: {  	s7 =	ssub.s32 $0x2, s7;
	s31 =	sshll.u32 s1, $0x6;
	s23 =	smul.u32 $0xA0, s1  }
0xb: {  	s8 =	sor.u32 s1, s12;
	s29 =	sshrl.u32 s7, $0x1;
	s22 =	sadd.s32 s11, s12  }
0xc: {  	s8 =	smul.u32 $0x500, s8;
	s28 =	sadd.s32 s20, s6;
	s14 =	sshrl.u32 s9, $0x3  }
0xd: {  	s13 =	sadd.s32 s13, s6;
	s16 =	ssub.s32 s7, s29;
	s30 =	sshrl.u32 s15, $0x2  }
0xe: {  	s7 =	sor.u32 $0x1C02, s31;
	s17 =	sadd.s32 s9, s4;
	s14 =	sadd.s32 s14, s6  }
0xf: {  	s15 =	sadd.s32 s30, s3;
	s21 =	sadd.s32 $0x3E600, s13;
	s11 =	smax.u32 s16, $0x1  }
0x10: {  	s13 =	simm.s32 $0x2;
	s16 =	simm.s32 $0x80;
	s10 =	sadd.s32 s8, s6  }
0x11: {  	s6 =	sadd.s32 $0x16600, s28;
	s9 =	sadd.s32 $0x16000, s14;
	s12 =	sshrl.u32 s15, $0x3  }
0x12: {  	s14 =	sshrl.u32 s17, $0x3;
	s15 =	simm.s32 $0x2800;
	s17 =	simm.s32 $0x5000  }
0x13: {  	s20 =	sadd.s32 s20, s21;
	s21 =	sadd.s32 s23, s22;
	s22 =	simm.s32 $0x20  }
0x14: {  	v0 =	vimm.f32 $1.000000000e+00;
	s23 =	simm.s32 $0x10;
	s8 =	sadd.s32 $0x2000, s10;
	s10 =	sadd.s32 $0xC000, s10  }
.LBB2_1:
0x15: {  	[spmem:s12], [sflag:s7] =	dma.local [hbm:s6], $0x2800  }
0x16: {  	_ =	swait.ge [sflag:s13], $0x2800  }
0x17: {  	[sflag:s13] =	ssyncset.done $0x0  }
0x18: {  	[sflag:s13] =	ssyncadd.s32 $0xFFFFD800  }
0x19: {  	[tilespmem:s5], [sflag:$0x2] =	stream.linear.gather [hbm4b:s8+s5], $0x2800, $0x38;
	[tilespmem:$0x1D300] =	vst v63  }
0x1a: {  	_ =	swait.ge [sflag:s13], $0x2800  }
0x1b: {  	[sflag:s13] =	ssyncset.done $0x0  }
0x1c: {  	[sflag:s13] =	ssyncadd.s32 $0xFFFFD800  }
0x1d: {  	[spmem:s14], [sflag:s7] =	dma.local [hbm:s9], $0x50  }
0x1e: {  	_ =	swait.ge [sflag:s13], $0x50  }
0x1f: {  	[sflag:s13] =	ssyncset.done $0x0  }
0x20: {  	[sflag:s13] =	ssyncadd.s32 $0xFFFFFFB0  }
0x21: {  	[tilespmem:$0x9000] =	vst v0  }
0x22: {  	[tilespmem:$0x9010] =	vst v0  }
0x23: {  	[tilespmem:$0x9020] =	vst v0  }
0x24: {  	[tilespmem:$0x9030] =	vst v0  }
0x25: {  	[tilespmem:$0x9040] =	vst v0  }
0x26: {  	[tilespmem:$0x9050] =	vst v0  }
0x27: {  	[tilespmem:$0x9060] =	vst v0  }
0x28: {  	[tilespmem:$0x9070] =	vst v0  }
0x29: {  	[bflag:$0x0] =	sbarrier.arrive $0xFFFF  }
0x2a: {  	[tilespmem:s15], [sflag:$0x2] =	stream.linear.gather [hbm4b:s10+s5], $0x2800, $0x38;
	[tilespmem:$0x1D300] =	vst v63  }
0x2b: {  	_ =	swait.ge [sflag:s13], $0x2800  }
0x2c: {  	[sflag:s13] =	ssyncset.done $0x0  }
0x2d: {  	s25 =	simm.s32 $0x0;
	[sflag:s13] =	ssyncadd.s32 $0xFFFFD800  }
0x2e: {  	[tilespmem:s17], [sflag:$0x1] =	stream.indirect.gather [hbm4b:s0+s16], $0x80, s25, s16, $0xb8;
	[tilespmem:$0x1D300] =	vst v63  }
0x2f: {  	_ =	swait.ge [sflag:s18], $0x4000  }
0x30: {  	[sflag:s18] =	ssyncset.done $0x0  }
0x31: {  	s31 =	simm.s32 $0x2800;
	[sflag:s18] =	ssyncadd.s32 $0xFFFFC000  }
0x32: {  	[spmem:s4] =	stream.indirect.scatter.add.f32 [tilespmem:s19], [sflag:$0x2], $0x1, s31, s16, $0xb8;
	[tilespmem:$0x1D300] =	vst v63  }
0x33: {  	_ =	swait.ge [sflag:s13], $0x80  }
0x34: {  	[sflag:s13] =	ssyncset.done $0x0  }
0x35: {  	[sflag:s13] =	ssyncadd.s32 $0xFFFFFF80  }
0x36: {  	[spmem:s3] =	stream.indirect.scatter.add.f32 [tilespmem:s17], [sflag:$0x2], $0x80, s31, s16, $0xb8;
	[tilespmem:$0x1D300] =	vst v63  }
0x37: {  	_ =	swait.ge [sflag:s13], $0x4000  }
0x38: {  	s26 =	simm.s32 $0x400;
	s25 =	simm.s32 $0x200;
	[sflag:s13] =	ssyncset.done $0x0  }
.LBB2_2:
0x39: {  	s28 =	sshra.s32 s25, $0x2  }
0x3a: {  	[sflag:s13] =	ssyncadd.s32 $0xFFFFC000;
	s25 =	smov.u32 s26;
	s29 =	sadd.s32 $0x200, s26  }
0x3b: {  	[tilespmem:s17], [sflag:$0x1] =	stream.indirect.gather [hbm4b:s0+s16], $0x80, s28, s16, $0xb8;
	[tilespmem:$0x1D300] =	vst v63  }
0x3c: {  	p0 =	sne.s32 s26, $0x9E00;
	_ =	swait.ge [sflag:s18], $0x4000  }
0x3d: {  	[sflag:s18] =	ssyncset.done $0x0  }
0x3e: {  	s26 =	sadd.s32 $0x2800, s28;
	[sflag:s18] =	ssyncadd.s32 $0xFFFFC000  }
0x3f: {  	[spmem:s4] =	stream.indirect.scatter.add.f32 [tilespmem:s19], [sflag:$0x2], $0x1, s26, s16, $0xb8;
	[tilespmem:$0x1D300] =	vst v63  }
0x40: {  	_ =	swait.ge [sflag:s13], $0x80  }
.Ltmp0:
0x41: {  	[sflag:s13] =	ssyncset.done $0x0;
	(pc) =	sbr.rel @p0 .LBB2_2-.Ltmp0, $4  }
0x42: {  	[sflag:s13] =	ssyncadd.s32 $0xFFFFFF80  }
0x43: {  	[spmem:s3] =	stream.indirect.scatter.add.f32 [tilespmem:s17], [sflag:$0x2], $0x80, s26, s16, $0xb8;
	[tilespmem:$0x1D300] =	vst v63  }
0x44: {  	_ =	swait.ge [sflag:s13], $0x4000  }
0x45: {  	s26 =	smov.u32 s29;
	[sflag:s13] =	ssyncset.done $0x0  }
0x46: {  	s25 =	sshra.s32 s25, $0x2;
	[sflag:s13] =	ssyncadd.s32 $0xFFFFC000  }
0x47: {  	[tilespmem:s17], [sflag:$0x1] =	stream.indirect.gather [hbm4b:s0+s16], $0x80, s25, s16, $0xb8;
	[tilespmem:$0x1D300] =	vst v63  }
0x48: {  	_ =	swait.ge [sflag:s18], $0x4000  }
0x49: {  	[sflag:s18] =	ssyncset.done $0x0  }
0x4a: {  	s25 =	sadd.s32 $0x2800, s25;
	[sflag:s18] =	ssyncadd.s32 $0xFFFFC000  }
0x4b: {  	[spmem:s4] =	stream.indirect.scatter.add.f32 [tilespmem:s19], [sflag:$0x2], $0x1, s25, s16, $0xb8;
	[tilespmem:$0x1D300] =	vst v63  }
0x4c: {  	_ =	swait.ge [sflag:s13], $0x80  }
0x4d: {  	[sflag:s13] =	ssyncset.done $0x0  }
0x4e: {  	[sflag:s13] =	ssyncadd.s32 $0xFFFFFF80  }
0x4f: {  	[spmem:s3] =	stream.indirect.scatter.add.f32 [tilespmem:s17], [sflag:$0x2], $0x80, s25, s16, $0xb8;
	[tilespmem:$0x1D300] =	vst v63  }
0x50: {  	_ =	swait.ge [sflag:s13], $0x4000  }
0x51: {  	[sflag:s13] =	ssyncset.done $0x0  }
0x52: {  	[sflag:s13] =	ssyncadd.s32 $0xFFFFC000  }
0x53: {  	[bflag:$0x0] =	sbarrier.arrive $0xFFFF  }
0x54: {  	[hbm:s20], [sflag:s7] =	dma.local [spmem:s12], $0x2800  }
0x55: {  	s24 =	sadd.s32 $0x1, s24;
	_ =	swait.ge [sflag:s13], $0x2800  }
0x56: {  	p0 =	sne.s32 s24, s11;
	[sflag:s13] =	ssyncset.done $0x0  }
.Ltmp1:
0x57: {  	[sflag:s13] =	ssyncadd.s32 $0xFFFFD800;
	(pc) =	sbr.rel @p0 .LBB2_1-.Ltmp1, $4  }
0x58: {  	[hbm:s21@s22], [sflag:s7] =	dma.strided [spmem:s14@s23], $0x50, s18, $0x10   }
0x59: {  	_ =	swait.ge [sflag:s13], $0x50  }
0x5a: {  	[sflag:s13] =	ssyncset.done $0x0  }
0x5b: {  	[sflag:s13] =	ssyncadd.s32 $0xFFFFFFB0  }
0x5c: {  	_ =	sfence.sel $0x180000  }
0x5d: {  	[bflag:$0x0] =	sbarrier.arrive $0xFFFF  }
0x5e: {  	p0 =	sne.s32 s1, $0x0;
	_ =	strace $0x90000047  }
0x5f: {  	s0 =	sadd.s32 @!p0 $0x100000, s2;
	[bflag:$0x2] =	sbarrier.arrive $0xFFFF  }
0x60: {  	[sflag:s0] =	ssyncadd.tile.s32 @!p0 $0x1;
	_ =	shalt  }
.Lfunc_end2:
_tile_overlayer_lowered:
.L_overlay_start_2:
0x61: {  	(tag) =	ssettag $0x2  }
0x62: {  	s0 =	rddreg [dreg:$0x0];
	s2 =	stileid.u32  }
0x63: {  	s1 =	rddreg [dreg:$0x1];
	p0 =	sne.s32 s2, $0x0  }
0x64: {  	s3 =	rddreg [dreg:$0x2];
	[bflag:$0x3] =	sbarrier.arrive $0xFFFF;
	s2 =	simm.s32 @!p0 $0x1C02  }
0x65: {  	[timem:s3], [sflag:s2] =	dma.local @!p0 [hbm:s0], s1  }
0x66: {  	s0 =	simm.s32 @!p0 $0x2  }
0x67: {  	_ =	swait.ge @!p0 [sflag:s0], s1  }
0x68: {  	s1 =	ssub.s32 @!p0 $0x0, s1;
	[sflag:s0] =	ssyncset.done @!p0 $0x0  }
0x69: {  	[sflag:s0] =	ssyncadd.s32 @!p0 s1  }
0x6a: {  	[bflag:$0x3] =	sbarrier.arrive $0xFFFF  }
0x6b: {  	_ =	shalt  }

</sc_bundles>
